<compile_context>
chip_gen: v7x
topology: tpu7x:2x2x1
jax: 0.10.2.dev20260603
libtpu: 0.0.44.dev20260713+nightly
codegen_flags: <defaults>
</compile_context>

<pallas_src>
import dataclasses

import jax
import jax.numpy as jnp
import numpy as np
from jax import lax
from jax.experimental import pallas as pl
from jax.experimental.pallas import tpu as pltpu
from jax.experimental.pallas import tpu_sc as plsc

N = 10000
E = 320000
D = 128

NCORES = 2
NSUB = 16
NTILES = NCORES * NSUB
CW = 128
NCH = 80
E_PAD = NTILES * NCH * CW
NP = 10240
RPT = NP // NSUB

_mesh = plsc.VectorSubcoreMesh(core_axis_name="c", subcore_axis_name="s")


EPT = E // NTILES


def _deg_body(dst_hbm, out_hbm, dstv, hist, sem):
    del sem
    cid = lax.axis_index("c")
    sid = lax.axis_index("s")
    tid = cid * NSUB + sid
    pltpu.sync_copy(dst_hbm.at[pl.ds(tid * EPT, EPT)], dstv)

    @pl.loop(0, NP // 128)
    def _(r):
        @pl.loop(0, 128 // 16)
        def _(j):
            hist[r, pl.ds(j * 16, 16)] = jnp.zeros((16,), jnp.float32)

    ones = jnp.ones((16,), jnp.float32)

    @pl.loop(0, EPT // 16)
    def _(v):
        idx = dstv[pl.ds(v * 16, 16)]
        plsc.addupdate_scatter(hist, [lax.shift_right_logical(idx, 7),
                                      lax.bitwise_and(idx, 127)], ones)

    pltpu.sync_copy(hist, out_hbm.at[tid])


_deg_cp = pltpu.CompilerParams()
if "needs_layout_passes" in pltpu.CompilerParams.__dataclass_fields__:
    _deg_cp = dataclasses.replace(_deg_cp, needs_layout_passes=False)

_deg_call = pl.kernel(
    _deg_body,
    out_type=jax.ShapeDtypeStruct((NTILES, NP // 128, 128), jnp.float32),
    mesh=_mesh,
    compiler_params=_deg_cp,
    scratch_types=[
        pltpu.VMEM((EPT,), jnp.int32),
        pltpu.VMEM((NP // 128, 128), jnp.float32),
        pltpu.SemaphoreType.DMA,
    ],
)


HCH = NCH // 2
SUB = 1
SW = CW // SUB


def _start_gather(y_hbm, srcv, c, buf, sem):
    for k in range(SUB):
        pltpu.async_copy(y_hbm.at[srcv.at[c, pl.ds(k * SW, SW)]],
                         buf.at[pl.ds(k * SW, SW)], sem)


def _wait_gather(y_hbm, srcv, c, buf, sem):
    for k in range(SUB):
        pltpu.make_async_copy(y_hbm.at[srcv.at[c, pl.ds(k * SW, SW)]],
                              buf.at[pl.ds(k * SW, SW)], sem).wait()


def _prop_body(y_hbm, src_hbm, dst_hbm, zrows_hbm, out_hbm,
               srcv, dstv, rows0, rows1, acc, g0, g1):
    cid = lax.axis_index("c")
    sid = lax.axis_index("s")
    tid = cid * NSUB + sid
    pltpu.sync_copy(zrows_hbm, acc.at[pl.ds(sid * RPT, RPT)])
    plsc.subcore_barrier()

    for ph in range(2):
        base = tid * NCH + ph * HCH
        pltpu.sync_copy(src_hbm.at[pl.ds(base, HCH)], srcv)
        pltpu.sync_copy(dst_hbm.at[pl.ds(base, HCH)], dstv)

        _start_gather(y_hbm, srcv, 0, rows0, g0)

        @pl.loop(0, HCH // 2 - 1)
        def _(i):
            c = i * 2
            _start_gather(y_hbm, srcv, c + 1, rows1, g1)
            _wait_gather(y_hbm, srcv, c, rows0, g0)
            pltpu.sync_copy(rows0, acc.at[dstv.at[c]], add=True)
            _start_gather(y_hbm, srcv, c + 2, rows0, g0)
            _wait_gather(y_hbm, srcv, c + 1, rows1, g1)
            pltpu.sync_copy(rows1, acc.at[dstv.at[c + 1]], add=True)

        _start_gather(y_hbm, srcv, HCH - 1, rows1, g1)
        _wait_gather(y_hbm, srcv, HCH - 2, rows0, g0)
        pltpu.sync_copy(rows0, acc.at[dstv.at[HCH - 2]], add=True)
        _wait_gather(y_hbm, srcv, HCH - 1, rows1, g1)
        pltpu.sync_copy(rows1, acc.at[dstv.at[HCH - 1]], add=True)

    plsc.subcore_barrier()
    pltpu.sync_copy(acc.at[pl.ds(sid * RPT, RPT)],
                    out_hbm.at[cid, pl.ds(sid * RPT, RPT)])


_prop_call = pl.kernel(
    _prop_body,
    out_type=jax.ShapeDtypeStruct((NCORES, NP, D), jnp.float32),
    mesh=_mesh,
    scratch_types=[
        pltpu.VMEM((HCH, CW), jnp.int32),
        pltpu.VMEM((HCH, CW), jnp.int32),
        pltpu.VMEM((CW, D), jnp.float32),
        pltpu.VMEM((CW, D), jnp.float32),
        pltpu.VMEM_SHARED((NP, D), jnp.float32),
        pltpu.SemaphoreType.DMA,
        pltpu.SemaphoreType.DMA,
    ],
)



ROWS_BLK = 5120


def _lin1_body(deg_ref, x_ref, w_ref, y_ref):
    dinv = lax.rsqrt(deg_ref[...].reshape(ROWS_BLK, 1))
    y_ref[...] = jnp.dot(x_ref[...], w_ref[...],
                         preferred_element_type=jnp.float32) * dinv


def _mid_body(deg_ref, p_ref, y1_ref, b1_ref, w2_ref, y2_ref):
    dinv = lax.rsqrt(deg_ref[...].reshape(ROWS_BLK, 1))
    z = p_ref[0] + p_ref[1] + y1_ref[...]
    h = jnp.maximum(z * dinv + b1_ref[...], 0.0)
    y2_ref[...] = jnp.dot(h, w2_ref[...],
                          preferred_element_type=jnp.float32) * dinv


def _out_body(deg_ref, p_ref, y2_ref, b2_ref, o_ref):
    dinv = lax.rsqrt(deg_ref[...].reshape(ROWS_BLK, 1))
    o_ref[...] = (p_ref[0] + p_ref[1] + y2_ref[...]) * dinv + b2_ref[...]


def _degp_spec():
    return pl.BlockSpec((ROWS_BLK,), lambda i: (i,))


def _rows_spec():
    return pl.BlockSpec((ROWS_BLK, D), lambda i: (i, 0))


def _p_spec():
    return pl.BlockSpec((NCORES, ROWS_BLK, D), lambda i: (0, i, 0))


def _full_spec():
    return pl.BlockSpec((D, D), lambda i: (0, 0))


def _bias_spec():
    return pl.BlockSpec((1, D), lambda i: (0, 0))


_lin1_call = pl.pallas_call(
    _lin1_body,
    grid=(NP // ROWS_BLK,),
    in_specs=[_degp_spec(), _rows_spec(), _full_spec()],
    out_specs=_rows_spec(),
    out_shape=jax.ShapeDtypeStruct((NP, D), jnp.float32),
)

_mid_call = pl.pallas_call(
    _mid_body,
    grid=(NP // ROWS_BLK,),
    in_specs=[_degp_spec(), _p_spec(), _rows_spec(), _bias_spec(), _full_spec()],
    out_specs=_rows_spec(),
    out_shape=jax.ShapeDtypeStruct((NP, D), jnp.float32),
)

_out_call = pl.pallas_call(
    _out_body,
    grid=(NP // ROWS_BLK,),
    in_specs=[_degp_spec(), _p_spec(), _rows_spec(), _bias_spec()],
    out_specs=_rows_spec(),
    out_shape=jax.ShapeDtypeStruct((N, D), jnp.float32),
)


def kernel(x, edge_index, W1, b1, W2, b2):
    pad2 = jnp.asarray(N + (np.arange(E_PAD - E, dtype=np.int32) % (NP - N))
                       ).reshape((E_PAD - E) // CW, CW)
    src2 = jnp.concatenate([edge_index[0].reshape(E // CW, CW), pad2])
    dst2 = jnp.concatenate([edge_index[1].reshape(E // CW, CW), pad2])
    zrows = jnp.zeros((RPT, D), jnp.float32)

    degp = _deg_call(edge_index[1])
    deg = degp.sum(axis=0).reshape(NP) + 1.0
    y1 = _lin1_call(deg, x, W1)
    p1 = _prop_call(y1, src2, dst2, zrows)
    y2 = _mid_call(deg, p1, y1, b1.reshape(1, D), W2)
    p2 = _prop_call(y2, src2, dst2, zrows)
    return _out_call(deg, p2, y2, b2.reshape(1, D))

# --- scband reference (transcript-rebuilt; emitter-appended) ---
"""Pipeline reference for scband-graph-filter-49460843381042 (READ-ONLY COPY).

The authoritative reference and input builder live on the scoring server;
editing this copy changes nothing except your own understanding.
"""

import jax, jax.numpy as jnp
import numpy as np

N = 10000
E = 320000
D_IN = 128
D_HID = 128
D_OUT = 128


def setup_inputs(seed: int = 0) -> dict:
    key = jax.random.key(seed)
    k1, k2, k3, k4, k5, k6 = jax.random.split(key, 6)
    x = jax.random.normal(k1, (N, D_IN), dtype=jnp.float32)
    edge_index = jax.random.randint(k2, (2, E), 0, N, dtype=jnp.int32)
    W1 = jax.random.normal(k3, (D_IN, D_HID), dtype=jnp.float32) * 0.05
    b1 = jnp.zeros((D_HID,), dtype=jnp.float32)
    W2 = jax.random.normal(k4, (D_HID, D_OUT), dtype=jnp.float32) * 0.05
    b2 = jnp.zeros((D_OUT,), dtype=jnp.float32)
    return {"x": x, "edge_index": edge_index, "W1": W1, "b1": b1, "W2": W2, "b2": b2}


def _gcn_conv(x, edge_index, W, b):
    # PyG GCNConv: x' = D^{-1/2} (A + I) D^{-1/2} X W + b  (symmetric normalization, self-loops)
    n = x.shape[0]
    loop = jnp.arange(n, dtype=edge_index.dtype)
    src = jnp.concatenate([edge_index[0], loop])
    dst = jnp.concatenate([edge_index[1], loop])
    deg = jnp.zeros((n,), dtype=x.dtype).at[dst].add(1.0)
    dinv = jnp.where(deg > 0, 1.0 / jnp.sqrt(deg), 0.0)
    norm = dinv[src] * dinv[dst]
    xw = x @ W
    msg = jnp.take(xw, src, axis=0) * norm[:, None]
    out = jnp.zeros((n, W.shape[1]), dtype=x.dtype).at[dst].add(msg)
    return out + b


def reference(x, edge_index, W1, b1, W2, b2):
    h = _gcn_conv(x, edge_index, W1, b1)
    h = jax.nn.relu(h)
    h = _gcn_conv(h, edge_index, W2, b2)
    return h

if __name__ == "__main__":
    import jax
    _d = setup_inputs()
    print(jax.jit(kernel)(*tuple(_d.values())))

</pallas_src>

<mosaic_0001>
#map = affine_map<(d0, d1) -> (0)>
#map1 = affine_map<(d0, d1) -> (0, 0, 0)>
module attributes {stable_mosaic.version = 14 : i64} {
  func.func @_deg_body(%arg0: i32, %arg1: i32, %arg2: memref<320000xi32, #tpu.memory_space<hbm>>, %arg3: memref<32x80x128xf32, #tpu.memory_space<hbm>>, %arg4: memref<10000xi32, #tpu.memory_space<vmem>>, %arg5: memref<80x128xf32, #tpu.memory_space<vmem>>, %arg6: memref<!tpu.dma_semaphore, #tpu.memory_space<semaphore_mem>>) attributes {dimension_semantics = [#tpu.dimension_semantics<core_parallel>, #tpu.dimension_semantics<subcore_parallel>], iteration_bounds = array<i64: 2, 16>, scalar_prefetch = 0 : i64, scratch_operands = 3 : i64, tpu.core_type = #tpu.core_type<sc_vector_subcore>, window_params = [{transform_indices = #map}, {transform_indices = #map1}]} {
    %mul3A = arith.constant 16 : i32
    %mul3A_0 = arith.muli %arg0, %mul3A : i32
    %add3A = arith.addi %mul3A_0, %arg1 : i32
    %mul3A_1 = arith.constant 10000 : i32
    %mul3A_2 = arith.muli %add3A, %mul3A_1 : i32
    "tpu.region"() ({
      %run_scoped3A = tpu.sem_alloc : memref<!tpu.dma_semaphore, #tpu.memory_space<semaphore_mem>>
      %dma_start3A = tpu.memref_slice %arg2[%mul3A_2] : memref<320000xi32, #tpu.memory_space<hbm>> -> memref<10000xi32, #tpu.memory_space<hbm>>
      %dma_start3A_13 = tpu.memref_slice %arg2[%mul3A_2] : memref<320000xi32, #tpu.memory_space<hbm>> -> memref<10000xi32, #tpu.memory_space<hbm>>
      tpu.enqueue_dma source(%dma_start3A_13 : memref<10000xi32, #tpu.memory_space<hbm>>) target(%arg4 : memref<10000xi32, #tpu.memory_space<vmem>>) target_semaphore(%run_scoped3A : memref<!tpu.dma_semaphore, #tpu.memory_space<semaphore_mem>>)
      %dma_wait3A = tpu.memref_slice %arg2[%mul3A_2] : memref<320000xi32, #tpu.memory_space<hbm>> -> memref<10000xi32, #tpu.memory_space<hbm>>
      %dma_wait3A_14 = tpu.memref_slice %arg2[%mul3A_2] : memref<320000xi32, #tpu.memory_space<hbm>> -> memref<10000xi32, #tpu.memory_space<hbm>>
      tpu.wait_dma2 semaphore(%run_scoped3A : memref<!tpu.dma_semaphore, #tpu.memory_space<semaphore_mem>>) src(%dma_wait3A_14 : memref<10000xi32, #tpu.memory_space<hbm>>) dst(%arg4 : memref<10000xi32, #tpu.memory_space<vmem>>)
      tpu.yield
    }) : () -> ()
    %scan3A = arith.constant 0 : i32
    %scan3A_3 = arith.constant 80 : i32
    %scan3A_4 = arith.addi %scan3A, %scan3A_3 : i32
    %scan3A_5 = arith.constant 1 : i32
    scf.for %scan3A_13 = %scan3A to %scan3A_4 step %scan3A_5  : i32 {
      %mul3A_14 = arith.constant 1 : i32
      %mul3A_15 = arith.muli %scan3A_13, %mul3A_14 : i32
      %add3A_16 = arith.constant 0 : i32
      %add3A_17 = arith.addi %add3A_16, %mul3A_15 : i32
      %scan3A_18 = arith.constant 0 : i32
      %scan3A_19 = arith.constant 8 : i32
      %scan3A_20 = arith.addi %scan3A_18, %scan3A_19 : i32
      %scan3A_21 = arith.constant 1 : i32
      scf.for %scan3A_23 = %scan3A_18 to %scan3A_20 step %scan3A_21  : i32 {
        %mul3A_24 = arith.constant 1 : i32
        %mul3A_25 = arith.muli %scan3A_23, %mul3A_24 : i32
        %add3A_26 = arith.constant 0 : i32
        %add3A_27 = arith.addi %add3A_26, %mul3A_25 : i32
        %broadcast_in_dim3A_28 = arith.constant 0.000000e+00 : f32
        %broadcast_in_dim3A_29 = vector.broadcast %broadcast_in_dim3A_28 : f32 to vector<16xf32>
        %mul3A_30 = arith.constant 16 : i32
        %mul3A_31 = arith.muli %add3A_27, %mul3A_30 : i32
        %swap3A = arith.index_cast %add3A_17 : i32 to index
        %swap3A_32 = arith.index_cast %mul3A_31 : i32 to index
        %swap3A_33 = tpu.vector_load %arg5[%swap3A, %swap3A_32] {strides = array<i32>} : memref<80x128xf32, #tpu.memory_space<vmem>>, vector<16xf32>,
        tpu.vector_store %arg5[%swap3A, %swap3A_32], %broadcast_in_dim3A_29 {strides = array<i32>} : memref<80x128xf32, #tpu.memory_space<vmem>>, vector<16xf32>,
      }
      %scan3A_22 = arith.constant 8 : i32
    }
    %scan3A_6 = arith.constant 80 : i32
    %broadcast_in_dim3A = arith.constant 1.000000e+00 : f32
    %broadcast_in_dim3A_7 = vector.broadcast %broadcast_in_dim3A : f32 to vector<16xf32>
    %scan3A_8 = arith.constant 0 : i32
    %scan3A_9 = arith.constant 625 : i32
    %scan3A_10 = arith.addi %scan3A_8, %scan3A_9 : i32
    %scan3A_11 = arith.constant 1 : i32
    scf.for %scan3A_13 = %scan3A_8 to %scan3A_10 step %scan3A_11  : i32 {
      %mul3A_14 = arith.constant 1 : i32
      %mul3A_15 = arith.muli %scan3A_13, %mul3A_14 : i32
      %add3A_16 = arith.constant 0 : i32
      %add3A_17 = arith.addi %add3A_16, %mul3A_15 : i32
      %mul3A_18 = arith.constant 16 : i32
      %mul3A_19 = arith.muli %add3A_17, %mul3A_18 : i32
      %get3A = arith.index_cast %mul3A_19 : i32 to index
      %get3A_20 = tpu.vector_load %arg4[%get3A] {strides = array<i32>} : memref<10000xi32, #tpu.memory_space<vmem>>, vector<16xi32>,
      %shift_right_logical3A = arith.constant 7 : i32
      %shift_right_logical3A_21 = vector.broadcast %shift_right_logical3A : i32 to vector<16xi32>
      %shift_right_logical3A_22 = arith.shrui %get3A_20, %shift_right_logical3A_21 : vector<16xi32>
      %and3A = arith.constant 127 : i32
      %and3A_23 = vector.broadcast %and3A : i32 to vector<16xi32>
      %and3A_24 = arith.andi %get3A_20, %and3A_23 : vector<16xi32>
      tpu.vector_store_idx %arg5[%shift_right_logical3A_22, %and3A_24], %broadcast_in_dim3A_7 {add = true} : memref<80x128xf32, #tpu.memory_space<vmem>>[vector<16xi32>, vector<16xi32>], vector<16xf32>,
    }
    %scan3A_12 = arith.constant 625 : i32
    "tpu.region"() ({
      %run_scoped3A = tpu.sem_alloc : memref<!tpu.dma_semaphore, #tpu.memory_space<semaphore_mem>>
      %dma_start3A = arith.constant 0 : i32
      %dma_start3A_13 = arith.constant 0 : i32
      %dma_start3A_14 = tpu.memref_slice %arg3[%add3A, %dma_start3A, %dma_start3A_13] : memref<32x80x128xf32, #tpu.memory_space<hbm>> -> memref<1x80x128xf32, #tpu.memory_space<hbm>>
      %dma_start3A_15 = tpu.memref_squeeze %dma_start3A_14 : memref<1x80x128xf32, #tpu.memory_space<hbm>> -> memref<80x128xf32, #tpu.memory_space<hbm>>
      %dma_start3A_16 = arith.constant 0 : i32
      %dma_start3A_17 = arith.constant 0 : i32
      %dma_start3A_18 = tpu.memref_slice %arg3[%add3A, %dma_start3A_16, %dma_start3A_17] : memref<32x80x128xf32, #tpu.memory_space<hbm>> -> memref<1x80x128xf32, #tpu.memory_space<hbm>>
      %dma_start3A_19 = tpu.memref_squeeze %dma_start3A_18 : memref<1x80x128xf32, #tpu.memory_space<hbm>> -> memref<80x128xf32, #tpu.memory_space<hbm>>
      tpu.enqueue_dma source(%arg5 : memref<80x128xf32, #tpu.memory_space<vmem>>) target(%dma_start3A_19 : memref<80x128xf32, #tpu.memory_space<hbm>>) target_semaphore(%run_scoped3A : memref<!tpu.dma_semaphore, #tpu.memory_space<semaphore_mem>>)
      %dma_wait3A = arith.constant 0 : i32
      %dma_wait3A_20 = arith.constant 0 : i32
      %dma_wait3A_21 = tpu.memref_slice %arg3[%add3A, %dma_wait3A, %dma_wait3A_20] : memref<32x80x128xf32, #tpu.memory_space<hbm>> -> memref<1x80x128xf32, #tpu.memory_space<hbm>>
      %dma_wait3A_22 = tpu.memref_squeeze %dma_wait3A_21 : memref<1x80x128xf32, #tpu.memory_space<hbm>> -> memref<80x128xf32, #tpu.memory_space<hbm>>
      %dma_wait3A_23 = arith.constant 0 : i32
      %dma_wait3A_24 = arith.constant 0 : i32
      %dma_wait3A_25 = tpu.memref_slice %arg3[%add3A, %dma_wait3A_23, %dma_wait3A_24] : memref<32x80x128xf32, #tpu.memory_space<hbm>> -> memref<1x80x128xf32, #tpu.memory_space<hbm>>
      %dma_wait3A_26 = tpu.memref_squeeze %dma_wait3A_25 : memref<1x80x128xf32, #tpu.memory_space<hbm>> -> memref<80x128xf32, #tpu.memory_space<hbm>>
      tpu.wait_dma2 semaphore(%run_scoped3A : memref<!tpu.dma_semaphore, #tpu.memory_space<semaphore_mem>>) src(%arg5 : memref<80x128xf32, #tpu.memory_space<vmem>>) dst(%dma_wait3A_26 : memref<80x128xf32, #tpu.memory_space<hbm>>)
      tpu.yield
    }) : () -> ()
    return
  }
}

#map = affine_map<(d0, d1) -> (0, 0)>
#map1 = affine_map<(d0, d1) -> (0, 0, 0)>
module attributes {stable_mosaic.version = 14 : i64} {
  func.func @_prop_body(%arg0: i32, %arg1: i32, %arg2: memref<10240x128xf32, #tpu.memory_space<hbm>>, %arg3: memref<2560x128xi32, #tpu.memory_space<hbm>>, %arg4: memref<2560x128xi32, #tpu.memory_space<hbm>>, %arg5: memref<640x128xf32, #tpu.memory_space<hbm>>, %arg6: memref<2x10240x128xf32, #tpu.memory_space<hbm>>, %arg7: memref<40x128xi32, #tpu.memory_space<vmem>>, %arg8: memref<40x128xi32, #tpu.memory_space<vmem>>, %arg9: memref<128x128xf32, #tpu.memory_space<vmem>>, %arg10: memref<128x128xf32, #tpu.memory_space<vmem>>, %arg11: memref<10240x128xf32, #tpu.memory_space<vmem_shared>>, %arg12: memref<!tpu.dma_semaphore, #tpu.memory_space<semaphore_mem>>, %arg13: memref<!tpu.dma_semaphore, #tpu.memory_space<semaphore_mem>>) attributes {dimension_semantics = [#tpu.dimension_semantics<core_parallel>, #tpu.dimension_semantics<subcore_parallel>], iteration_bounds = array<i64: 2, 16>, scalar_prefetch = 0 : i64, scratch_operands = 7 : i64, tpu.core_type = #tpu.core_type<sc_vector_subcore>, window_params = [{transform_indices = #map}, {transform_indices = #map}, {transform_indices = #map}, {transform_indices = #map}, {transform_indices = #map1}]} {
    %mul3A = arith.constant 16 : i32
    %mul3A_0 = arith.muli %arg0, %mul3A : i32
    %add3A = arith.addi %mul3A_0, %arg1 : i32
    %mul3A_1 = arith.constant 640 : i32
    %mul3A_2 = arith.muli %arg1, %mul3A_1 : i32
    "tpu.region"() ({
      %run_scoped3A_106 = tpu.sem_alloc : memref<!tpu.dma_semaphore, #tpu.memory_space<semaphore_mem>>
      %dma_start3A_107 = arith.constant 0 : i32
      %dma_start3A_108 = tpu.memref_slice %arg11[%mul3A_2, %dma_start3A_107] : memref<10240x128xf32, #tpu.memory_space<vmem_shared>> -> memref<640x128xf32, #tpu.memory_space<vmem_shared>>
      tpu.enqueue_dma source(%arg5 : memref<640x128xf32, #tpu.memory_space<hbm>>) target(%dma_start3A_108 : memref<640x128xf32, #tpu.memory_space<vmem_shared>>) target_semaphore(%run_scoped3A_106 : memref<!tpu.dma_semaphore, #tpu.memory_space<semaphore_mem>>)
      %dma_wait3A_109 = arith.constant 0 : i32
      %dma_wait3A_110 = tpu.memref_slice %arg11[%mul3A_2, %dma_wait3A_109] : memref<10240x128xf32, #tpu.memory_space<vmem_shared>> -> memref<640x128xf32, #tpu.memory_space<vmem_shared>>
      tpu.wait_dma2 semaphore(%run_scoped3A_106 : memref<!tpu.dma_semaphore, #tpu.memory_space<semaphore_mem>>) src(%arg5 : memref<640x128xf32, #tpu.memory_space<hbm>>) dst(%dma_wait3A_110 : memref<640x128xf32, #tpu.memory_space<vmem_shared>>)
      tpu.yield
    }) : () -> ()
    %barrier3A = arith.constant 0 : index
    tpu.barrier barrier_id(%barrier3A)
    %mul3A_3 = arith.constant 80 : i32
    %mul3A_4 = arith.muli %add3A, %mul3A_3 : i32
    %add3A_5 = arith.constant 0 : i32
    %add3A_6 = arith.addi %mul3A_4, %add3A_5 : i32
    "tpu.region"() ({
      %run_scoped3A_106 = tpu.sem_alloc : memref<!tpu.dma_semaphore, #tpu.memory_space<semaphore_mem>>
      %dma_start3A_107 = arith.constant 0 : i32
      %dma_start3A_108 = tpu.memref_slice %arg3[%add3A_6, %dma_start3A_107] : memref<2560x128xi32, #tpu.memory_space<hbm>> -> memref<40x128xi32, #tpu.memory_space<hbm>>
      %dma_start3A_109 = arith.constant 0 : i32
      %dma_start3A_110 = tpu.memref_slice %arg3[%add3A_6, %dma_start3A_109] : memref<2560x128xi32, #tpu.memory_space<hbm>> -> memref<40x128xi32, #tpu.memory_space<hbm>>
      tpu.enqueue_dma source(%dma_start3A_110 : memref<40x128xi32, #tpu.memory_space<hbm>>) target(%arg7 : memref<40x128xi32, #tpu.memory_space<vmem>>) target_semaphore(%run_scoped3A_106 : memref<!tpu.dma_semaphore, #tpu.memory_space<semaphore_mem>>)
      %dma_wait3A_111 = arith.constant 0 : i32
      %dma_wait3A_112 = tpu.memref_slice %arg3[%add3A_6, %dma_wait3A_111] : memref<2560x128xi32, #tpu.memory_space<hbm>> -> memref<40x128xi32, #tpu.memory_space<hbm>>
      %dma_wait3A_113 = arith.constant 0 : i32
      %dma_wait3A_114 = tpu.memref_slice %arg3[%add3A_6, %dma_wait3A_113] : memref<2560x128xi32, #tpu.memory_space<hbm>> -> memref<40x128xi32, #tpu.memory_space<hbm>>
      tpu.wait_dma2 semaphore(%run_scoped3A_106 : memref<!tpu.dma_semaphore, #tpu.memory_space<semaphore_mem>>) src(%dma_wait3A_114 : memref<40x128xi32, #tpu.memory_space<hbm>>) dst(%arg7 : memref<40x128xi32, #tpu.memory_space<vmem>>)
      tpu.yield
    }) : () -> ()
    "tpu.region"() ({
      %run_scoped3A_106 = tpu.sem_alloc : memref<!tpu.dma_semaphore, #tpu.memory_space<semaphore_mem>>
      %dma_start3A_107 = arith.constant 0 : i32
      %dma_start3A_108 = tpu.memref_slice %arg4[%add3A_6, %dma_start3A_107] : memref<2560x128xi32, #tpu.memory_space<hbm>> -> memref<40x128xi32, #tpu.memory_space<hbm>>
      %dma_start3A_109 = arith.constant 0 : i32
      %dma_start3A_110 = tpu.memref_slice %arg4[%add3A_6, %dma_start3A_109] : memref<2560x128xi32, #tpu.memory_space<hbm>> -> memref<40x128xi32, #tpu.memory_space<hbm>>
      tpu.enqueue_dma source(%dma_start3A_110 : memref<40x128xi32, #tpu.memory_space<hbm>>) target(%arg8 : memref<40x128xi32, #tpu.memory_space<vmem>>) target_semaphore(%run_scoped3A_106 : memref<!tpu.dma_semaphore, #tpu.memory_space<semaphore_mem>>)
      %dma_wait3A_111 = arith.constant 0 : i32
      %dma_wait3A_112 = tpu.memref_slice %arg4[%add3A_6, %dma_wait3A_111] : memref<2560x128xi32, #tpu.memory_space<hbm>> -> memref<40x128xi32, #tpu.memory_space<hbm>>
      %dma_wait3A_113 = arith.constant 0 : i32
      %dma_wait3A_114 = tpu.memref_slice %arg4[%add3A_6, %dma_wait3A_113] : memref<2560x128xi32, #tpu.memory_space<hbm>> -> memref<40x128xi32, #tpu.memory_space<hbm>>
      tpu.wait_dma2 semaphore(%run_scoped3A_106 : memref<!tpu.dma_semaphore, #tpu.memory_space<semaphore_mem>>) src(%dma_wait3A_114 : memref<40x128xi32, #tpu.memory_space<hbm>>) dst(%arg8 : memref<40x128xi32, #tpu.memory_space<vmem>>)
      tpu.yield
    }) : () -> ()
    %dma_start3A = arith.constant 0 : i32
    %dma_start3A_7 = arith.constant 0 : i32
    %dma_start3A_8 = arith.constant 0 : i32
    %dma_start3A_9 = tpu.memref_slice %arg9[%dma_start3A_7, %dma_start3A_8] : memref<128x128xf32, #tpu.memory_space<vmem>> -> memref<128x128xf32, #tpu.memory_space<vmem>>
    %dma_start3A_10 = arith.constant 0 : i32
    %dma_start3A_11 = tpu.memref_slice %arg7[%dma_start3A, %dma_start3A_10] : memref<40x128xi32, #tpu.memory_space<vmem>> -> memref<1x128xi32, #tpu.memory_space<vmem>>
    %dma_start3A_12 = tpu.memref_squeeze %dma_start3A_11 : memref<1x128xi32, #tpu.memory_space<vmem>> -> memref<128xi32, #tpu.memory_space<vmem>>
    %dma_start3A_13 = arith.constant 0 : i32
    %dma_start3A_14 = arith.constant 0 : i32
    %dma_start3A_15 = tpu.memref_slice %arg2[%dma_start3A_13, %dma_start3A_14] : memref<10240x128xf32, #tpu.memory_space<hbm>> -> memref<10240x128xf32, #tpu.memory_space<hbm>>
    tpu.enqueue_indirect_dma source(%dma_start3A_15 : memref<10240x128xf32, #tpu.memory_space<hbm>>) target(%dma_start3A_9 : memref<128x128xf32, #tpu.memory_space<vmem>>) offsets(%dma_start3A_12 : memref<128xi32, #tpu.memory_space<vmem>>) semaphore(%arg12 : memref<!tpu.dma_semaphore, #tpu.memory_space<semaphore_mem>>)
    %scan3A = arith.constant 0 : i32
    %scan3A_16 = arith.constant 19 : i32
    %scan3A_17 = arith.addi %scan3A, %scan3A_16 : i32
    %scan3A_18 = arith.constant 1 : i32
    scf.for %scan3A_106 = %scan3A to %scan3A_17 step %scan3A_18  : i32 {
      %mul3A_107 = arith.constant 1 : i32
      %mul3A_108 = arith.muli %scan3A_106, %mul3A_107 : i32
      %add3A_109 = arith.constant 0 : i32
      %add3A_110 = arith.addi %add3A_109, %mul3A_108 : i32
      %mul3A_111 = arith.constant 2 : i32
      %mul3A_112 = arith.muli %add3A_110, %mul3A_111 : i32
      %add3A_113 = arith.constant 1 : i32
      %add3A_114 = arith.addi %mul3A_112, %add3A_113 : i32
      %dma_start3A_115 = arith.constant 0 : i32
      %dma_start3A_116 = arith.constant 0 : i32
      %dma_start3A_117 = tpu.memref_slice %arg10[%dma_start3A_115, %dma_start3A_116] : memref<128x128xf32, #tpu.memory_space<vmem>> -> memref<128x128xf32, #tpu.memory_space<vmem>>
      %dma_start3A_118 = arith.constant 0 : i32
      %dma_start3A_119 = tpu.memref_slice %arg7[%add3A_114, %dma_start3A_118] : memref<40x128xi32, #tpu.memory_space<vmem>> -> memref<1x128xi32, #tpu.memory_space<vmem>>
      %dma_start3A_120 = tpu.memref_squeeze %dma_start3A_119 : memref<1x128xi32, #tpu.memory_space<vmem>> -> memref<128xi32, #tpu.memory_space<vmem>>
      %dma_start3A_121 = arith.constant 0 : i32
      %dma_start3A_122 = arith.constant 0 : i32
      %dma_start3A_123 = tpu.memref_slice %arg2[%dma_start3A_121, %dma_start3A_122] : memref<10240x128xf32, #tpu.memory_space<hbm>> -> memref<10240x128xf32, #tpu.memory_space<hbm>>
      tpu.enqueue_indirect_dma source(%dma_start3A_123 : memref<10240x128xf32, #tpu.memory_space<hbm>>) target(%dma_start3A_117 : memref<128x128xf32, #tpu.memory_space<vmem>>) offsets(%dma_start3A_120 : memref<128xi32, #tpu.memory_space<vmem>>) semaphore(%arg13 : memref<!tpu.dma_semaphore, #tpu.memory_space<semaphore_mem>>)
      %dma_wait3A_124 = arith.constant 0 : i32
      %dma_wait3A_125 = arith.constant 0 : i32
      %dma_wait3A_126 = tpu.memref_slice %arg9[%dma_wait3A_124, %dma_wait3A_125] : memref<128x128xf32, #tpu.memory_space<vmem>> -> memref<128x128xf32, #tpu.memory_space<vmem>>
      %dma_wait3A_127 = arith.constant 0 : i32
      %dma_wait3A_128 = tpu.memref_slice %arg7[%mul3A_112, %dma_wait3A_127] : memref<40x128xi32, #tpu.memory_space<vmem>> -> memref<1x128xi32, #tpu.memory_space<vmem>>
      %dma_wait3A_129 = tpu.memref_squeeze %dma_wait3A_128 : memref<1x128xi32, #tpu.memory_space<vmem>> -> memref<128xi32, #tpu.memory_space<vmem>>
      %dma_wait3A_130 = arith.constant 0 : i32
      %dma_wait3A_131 = arith.constant 0 : i32
      %dma_wait3A_132 = tpu.memref_slice %arg2[%dma_wait3A_130, %dma_wait3A_131] : memref<10240x128xf32, #tpu.memory_space<hbm>> -> memref<10240x128xf32, #tpu.memory_space<hbm>>
      tpu.wait_indirect_dma semaphore(%arg12 : memref<!tpu.dma_semaphore, #tpu.memory_space<semaphore_mem>>) src(%dma_wait3A_132 : memref<10240x128xf32, #tpu.memory_space<hbm>>) dst(%dma_wait3A_126 : memref<128x128xf32, #tpu.memory_space<vmem>>)
      "tpu.region"() ({
        %run_scoped3A_157 = tpu.sem_alloc : memref<!tpu.dma_semaphore, #tpu.memory_space<semaphore_mem>>
        %dma_start3A_158 = arith.constant 0 : i32
        %dma_start3A_159 = tpu.memref_slice %arg8[%mul3A_112, %dma_start3A_158] : memref<40x128xi32, #tpu.memory_space<vmem>> -> memref<1x128xi32, #tpu.memory_space<vmem>>
        %dma_start3A_160 = tpu.memref_squeeze %dma_start3A_159 : memref<1x128xi32, #tpu.memory_space<vmem>> -> memref<128xi32, #tpu.memory_space<vmem>>
        %dma_start3A_161 = arith.constant 0 : i32
        %dma_start3A_162 = arith.constant 0 : i32
        %dma_start3A_163 = tpu.memref_slice %arg11[%dma_start3A_161, %dma_start3A_162] : memref<10240x128xf32, #tpu.memory_space<vmem_shared>> -> memref<10240x128xf32, #tpu.memory_space<vmem_shared>>
        tpu.enqueue_indirect_dma source(%arg9 : memref<128x128xf32, #tpu.memory_space<vmem>>) target(%dma_start3A_163 : memref<10240x128xf32, #tpu.memory_space<vmem_shared>>) offsets(%dma_start3A_160 : memref<128xi32, #tpu.memory_space<vmem>>) semaphore(%run_scoped3A_157 : memref<!tpu.dma_semaphore, #tpu.memory_space<semaphore_mem>>) {add = true}
        %dma_wait3A_164 = arith.constant 0 : i32
        %dma_wait3A_165 = tpu.memref_slice %arg8[%mul3A_112, %dma_wait3A_164] : memref<40x128xi32, #tpu.memory_space<vmem>> -> memref<1x128xi32, #tpu.memory_space<vmem>>
        %dma_wait3A_166 = tpu.memref_squeeze %dma_wait3A_165 : memref<1x128xi32, #tpu.memory_space<vmem>> -> memref<128xi32, #tpu.memory_space<vmem>>
        %dma_wait3A_167 = arith.constant 0 : i32
        %dma_wait3A_168 = arith.constant 0 : i32
        %dma_wait3A_169 = tpu.memref_slice %arg11[%dma_wait3A_167, %dma_wait3A_168] : memref<10240x128xf32, #tpu.memory_space<vmem_shared>> -> memref<10240x128xf32, #tpu.memory_space<vmem_shared>>
        tpu.wait_indirect_dma semaphore(%run_scoped3A_157 : memref<!tpu.dma_semaphore, #tpu.memory_space<semaphore_mem>>) src(%arg9 : memref<128x128xf32, #tpu.memory_space<vmem>>) dst(%dma_wait3A_169 : memref<10240x128xf32, #tpu.memory_space<vmem_shared>>)
        tpu.yield
      }) : () -> ()
      %add3A_133 = arith.constant 2 : i32
      %add3A_134 = arith.addi %mul3A_112, %add3A_133 : i32
      %dma_start3A_135 = arith.constant 0 : i32
      %dma_start3A_136 = arith.constant 0 : i32
      %dma_start3A_137 = tpu.memref_slice %arg9[%dma_start3A_135, %dma_start3A_136] : memref<128x128xf32, #tpu.memory_space<vmem>> -> memref<128x128xf32, #tpu.memory_space<vmem>>
      %dma_start3A_138 = arith.constant 0 : i32
      %dma_start3A_139 = tpu.memref_slice %arg7[%add3A_134, %dma_start3A_138] : memref<40x128xi32, #tpu.memory_space<vmem>> -> memref<1x128xi32, #tpu.memory_space<vmem>>
      %dma_start3A_140 = tpu.memref_squeeze %dma_start3A_139 : memref<1x128xi32, #tpu.memory_space<vmem>> -> memref<128xi32, #tpu.memory_space<vmem>>
      %dma_start3A_141 = arith.constant 0 : i32
      %dma_start3A_142 = arith.constant 0 : i32
      %dma_start3A_143 = tpu.memref_slice %arg2[%dma_start3A_141, %dma_start3A_142] : memref<10240x128xf32, #tpu.memory_space<hbm>> -> memref<10240x128xf32, #tpu.memory_space<hbm>>
      tpu.enqueue_indirect_dma source(%dma_start3A_143 : memref<10240x128xf32, #tpu.memory_space<hbm>>) target(%dma_start3A_137 : memref<128x128xf32, #tpu.memory_space<vmem>>) offsets(%dma_start3A_140 : memref<128xi32, #tpu.memory_space<vmem>>) semaphore(%arg12 : memref<!tpu.dma_semaphore, #tpu.memory_space<semaphore_mem>>)
      %add3A_144 = arith.constant 1 : i32
      %add3A_145 = arith.addi %mul3A_112, %add3A_144 : i32
      %dma_wait3A_146 = arith.constant 0 : i32
      %dma_wait3A_147 = arith.constant 0 : i32
      %dma_wait3A_148 = tpu.memref_slice %arg10[%dma_wait3A_146, %dma_wait3A_147] : memref<128x128xf32, #tpu.memory_space<vmem>> -> memref<128x128xf32, #tpu.memory_space<vmem>>
      %dma_wait3A_149 = arith.constant 0 : i32
      %dma_wait3A_150 = tpu.memref_slice %arg7[%add3A_145, %dma_wait3A_149] : memref<40x128xi32, #tpu.memory_space<vmem>> -> memref<1x128xi32, #tpu.memory_space<vmem>>
      %dma_wait3A_151 = tpu.memref_squeeze %dma_wait3A_150 : memref<1x128xi32, #tpu.memory_space<vmem>> -> memref<128xi32, #tpu.memory_space<vmem>>
      %dma_wait3A_152 = arith.constant 0 : i32
      %dma_wait3A_153 = arith.constant 0 : i32
      %dma_wait3A_154 = tpu.memref_slice %arg2[%dma_wait3A_152, %dma_wait3A_153] : memref<10240x128xf32, #tpu.memory_space<hbm>> -> memref<10240x128xf32, #tpu.memory_space<hbm>>
      tpu.wait_indirect_dma semaphore(%arg13 : memref<!tpu.dma_semaphore, #tpu.memory_space<semaphore_mem>>) src(%dma_wait3A_154 : memref<10240x128xf32, #tpu.memory_space<hbm>>) dst(%dma_wait3A_148 : memref<128x128xf32, #tpu.memory_space<vmem>>)
      %add3A_155 = arith.constant 1 : i32
      %add3A_156 = arith.addi %mul3A_112, %add3A_155 : i32
      "tpu.region"() ({
        %run_scoped3A_157 = tpu.sem_alloc : memref<!tpu.dma_semaphore, #tpu.memory_space<semaphore_mem>>
        %dma_start3A_158 = arith.constant 0 : i32
        %dma_start3A_159 = tpu.memref_slice %arg8[%add3A_156, %dma_start3A_158] : memref<40x128xi32, #tpu.memory_space<vmem>> -> memref<1x128xi32, #tpu.memory_space<vmem>>
        %dma_start3A_160 = tpu.memref_squeeze %dma_start3A_159 : memref<1x128xi32, #tpu.memory_space<vmem>> -> memref<128xi32, #tpu.memory_space<vmem>>
        %dma_start3A_161 = arith.constant 0 : i32
        %dma_start3A_162 = arith.constant 0 : i32
        %dma_start3A_163 = tpu.memref_slice %arg11[%dma_start3A_161, %dma_start3A_162] : memref<10240x128xf32, #tpu.memory_space<vmem_shared>> -> memref<10240x128xf32, #tpu.memory_space<vmem_shared>>
        tpu.enqueue_indirect_dma source(%arg10 : memref<128x128xf32, #tpu.memory_space<vmem>>) target(%dma_start3A_163 : memref<10240x128xf32, #tpu.memory_space<vmem_shared>>) offsets(%dma_start3A_160 : memref<128xi32, #tpu.memory_space<vmem>>) semaphore(%run_scoped3A_157 : memref<!tpu.dma_semaphore, #tpu.memory_space<semaphore_mem>>) {add = true}
        %dma_wait3A_164 = arith.constant 0 : i32
        %dma_wait3A_165 = tpu.memref_slice %arg8[%add3A_156, %dma_wait3A_164] : memref<40x128xi32, #tpu.memory_space<vmem>> -> memref<1x128xi32, #tpu.memory_space<vmem>>
        %dma_wait3A_166 = tpu.memref_squeeze %dma_wait3A_165 : memref<1x128xi32, #tpu.memory_space<vmem>> -> memref<128xi32, #tpu.memory_space<vmem>>
        %dma_wait3A_167 = arith.constant 0 : i32
        %dma_wait3A_168 = arith.constant 0 : i32
        %dma_wait3A_169 = tpu.memref_slice %arg11[%dma_wait3A_167, %dma_wait3A_168] : memref<10240x128xf32, #tpu.memory_space<vmem_shared>> -> memref<10240x128xf32, #tpu.memory_space<vmem_shared>>
        tpu.wait_indirect_dma semaphore(%run_scoped3A_157 : memref<!tpu.dma_semaphore, #tpu.memory_space<semaphore_mem>>) src(%arg10 : memref<128x128xf32, #tpu.memory_space<vmem>>) dst(%dma_wait3A_169 : memref<10240x128xf32, #tpu.memory_space<vmem_shared>>)
        tpu.yield
      }) : () -> ()
    }
    %scan3A_19 = arith.constant 19 : i32
    %dma_start3A_20 = arith.constant 39 : i32
    %dma_start3A_21 = arith.constant 0 : i32
    %dma_start3A_22 = arith.constant 0 : i32
    %dma_start3A_23 = tpu.memref_slice %arg10[%dma_start3A_21, %dma_start3A_22] : memref<128x128xf32, #tpu.memory_space<vmem>> -> memref<128x128xf32, #tpu.memory_space<vmem>>
    %dma_start3A_24 = arith.constant 0 : i32
    %dma_start3A_25 = tpu.memref_slice %arg7[%dma_start3A_20, %dma_start3A_24] : memref<40x128xi32, #tpu.memory_space<vmem>> -> memref<1x128xi32, #tpu.memory_space<vmem>>
    %dma_start3A_26 = tpu.memref_squeeze %dma_start3A_25 : memref<1x128xi32, #tpu.memory_space<vmem>> -> memref<128xi32, #tpu.memory_space<vmem>>
    %dma_start3A_27 = arith.constant 0 : i32
    %dma_start3A_28 = arith.constant 0 : i32
    %dma_start3A_29 = tpu.memref_slice %arg2[%dma_start3A_27, %dma_start3A_28] : memref<10240x128xf32, #tpu.memory_space<hbm>> -> memref<10240x128xf32, #tpu.memory_space<hbm>>
    tpu.enqueue_indirect_dma source(%dma_start3A_29 : memref<10240x128xf32, #tpu.memory_space<hbm>>) target(%dma_start3A_23 : memref<128x128xf32, #tpu.memory_space<vmem>>) offsets(%dma_start3A_26 : memref<128xi32, #tpu.memory_space<vmem>>) semaphore(%arg13 : memref<!tpu.dma_semaphore, #tpu.memory_space<semaphore_mem>>)
    %dma_wait3A = arith.constant 38 : i32
    %dma_wait3A_30 = arith.constant 0 : i32
    %dma_wait3A_31 = arith.constant 0 : i32
    %dma_wait3A_32 = tpu.memref_slice %arg9[%dma_wait3A_30, %dma_wait3A_31] : memref<128x128xf32, #tpu.memory_space<vmem>> -> memref<128x128xf32, #tpu.memory_space<vmem>>
    %dma_wait3A_33 = arith.constant 0 : i32
    %dma_wait3A_34 = tpu.memref_slice %arg7[%dma_wait3A, %dma_wait3A_33] : memref<40x128xi32, #tpu.memory_space<vmem>> -> memref<1x128xi32, #tpu.memory_space<vmem>>
    %dma_wait3A_35 = tpu.memref_squeeze %dma_wait3A_34 : memref<1x128xi32, #tpu.memory_space<vmem>> -> memref<128xi32, #tpu.memory_space<vmem>>
    %dma_wait3A_36 = arith.constant 0 : i32
    %dma_wait3A_37 = arith.constant 0 : i32
    %dma_wait3A_38 = tpu.memref_slice %arg2[%dma_wait3A_36, %dma_wait3A_37] : memref<10240x128xf32, #tpu.memory_space<hbm>> -> memref<10240x128xf32, #tpu.memory_space<hbm>>
    tpu.wait_indirect_dma semaphore(%arg12 : memref<!tpu.dma_semaphore, #tpu.memory_space<semaphore_mem>>) src(%dma_wait3A_38 : memref<10240x128xf32, #tpu.memory_space<hbm>>) dst(%dma_wait3A_32 : memref<128x128xf32, #tpu.memory_space<vmem>>)
    %run_scoped3A = arith.constant 38 : i32
    "tpu.region"() ({
      %run_scoped3A_106 = tpu.sem_alloc : memref<!tpu.dma_semaphore, #tpu.memory_space<semaphore_mem>>
      %dma_start3A_107 = arith.constant 0 : i32
      %dma_start3A_108 = tpu.memref_slice %arg8[%run_scoped3A, %dma_start3A_107] : memref<40x128xi32, #tpu.memory_space<vmem>> -> memref<1x128xi32, #tpu.memory_space<vmem>>
      %dma_start3A_109 = tpu.memref_squeeze %dma_start3A_108 : memref<1x128xi32, #tpu.memory_space<vmem>> -> memref<128xi32, #tpu.memory_space<vmem>>
      %dma_start3A_110 = arith.constant 0 : i32
      %dma_start3A_111 = arith.constant 0 : i32
      %dma_start3A_112 = tpu.memref_slice %arg11[%dma_start3A_110, %dma_start3A_111] : memref<10240x128xf32, #tpu.memory_space<vmem_shared>> -> memref<10240x128xf32, #tpu.memory_space<vmem_shared>>
      tpu.enqueue_indirect_dma source(%arg9 : memref<128x128xf32, #tpu.memory_space<vmem>>) target(%dma_start3A_112 : memref<10240x128xf32, #tpu.memory_space<vmem_shared>>) offsets(%dma_start3A_109 : memref<128xi32, #tpu.memory_space<vmem>>) semaphore(%run_scoped3A_106 : memref<!tpu.dma_semaphore, #tpu.memory_space<semaphore_mem>>) {add = true}
      %dma_wait3A_113 = arith.constant 0 : i32
      %dma_wait3A_114 = tpu.memref_slice %arg8[%run_scoped3A, %dma_wait3A_113] : memref<40x128xi32, #tpu.memory_space<vmem>> -> memref<1x128xi32, #tpu.memory_space<vmem>>
      %dma_wait3A_115 = tpu.memref_squeeze %dma_wait3A_114 : memref<1x128xi32, #tpu.memory_space<vmem>> -> memref<128xi32, #tpu.memory_space<vmem>>
      %dma_wait3A_116 = arith.constant 0 : i32
      %dma_wait3A_117 = arith.constant 0 : i32
      %dma_wait3A_118 = tpu.memref_slice %arg11[%dma_wait3A_116, %dma_wait3A_117] : memref<10240x128xf32, #tpu.memory_space<vmem_shared>> -> memref<10240x128xf32, #tpu.memory_space<vmem_shared>>
      tpu.wait_indirect_dma semaphore(%run_scoped3A_106 : memref<!tpu.dma_semaphore, #tpu.memory_space<semaphore_mem>>) src(%arg9 : memref<128x128xf32, #tpu.memory_space<vmem>>) dst(%dma_wait3A_118 : memref<10240x128xf32, #tpu.memory_space<vmem_shared>>)
      tpu.yield
    }) : () -> ()
    %dma_wait3A_39 = arith.constant 39 : i32
    %dma_wait3A_40 = arith.constant 0 : i32
    %dma_wait3A_41 = arith.constant 0 : i32
    %dma_wait3A_42 = tpu.memref_slice %arg10[%dma_wait3A_40, %dma_wait3A_41] : memref<128x128xf32, #tpu.memory_space<vmem>> -> memref<128x128xf32, #tpu.memory_space<vmem>>
    %dma_wait3A_43 = arith.constant 0 : i32
    %dma_wait3A_44 = tpu.memref_slice %arg7[%dma_wait3A_39, %dma_wait3A_43] : memref<40x128xi32, #tpu.memory_space<vmem>> -> memref<1x128xi32, #tpu.memory_space<vmem>>
    %dma_wait3A_45 = tpu.memref_squeeze %dma_wait3A_44 : memref<1x128xi32, #tpu.memory_space<vmem>> -> memref<128xi32, #tpu.memory_space<vmem>>
    %dma_wait3A_46 = arith.constant 0 : i32
    %dma_wait3A_47 = arith.constant 0 : i32
    %dma_wait3A_48 = tpu.memref_slice %arg2[%dma_wait3A_46, %dma_wait3A_47] : memref<10240x128xf32, #tpu.memory_space<hbm>> -> memref<10240x128xf32, #tpu.memory_space<hbm>>
    tpu.wait_indirect_dma semaphore(%arg13 : memref<!tpu.dma_semaphore, #tpu.memory_space<semaphore_mem>>) src(%dma_wait3A_48 : memref<10240x128xf32, #tpu.memory_space<hbm>>) dst(%dma_wait3A_42 : memref<128x128xf32, #tpu.memory_space<vmem>>)
    %run_scoped3A_49 = arith.constant 39 : i32
    "tpu.region"() ({
      %run_scoped3A_106 = tpu.sem_alloc : memref<!tpu.dma_semaphore, #tpu.memory_space<semaphore_mem>>
      %dma_start3A_107 = arith.constant 0 : i32
      %dma_start3A_108 = tpu.memref_slice %arg8[%run_scoped3A_49, %dma_start3A_107] : memref<40x128xi32, #tpu.memory_space<vmem>> -> memref<1x128xi32, #tpu.memory_space<vmem>>
      %dma_start3A_109 = tpu.memref_squeeze %dma_start3A_108 : memref<1x128xi32, #tpu.memory_space<vmem>> -> memref<128xi32, #tpu.memory_space<vmem>>
      %dma_start3A_110 = arith.constant 0 : i32
      %dma_start3A_111 = arith.constant 0 : i32
      %dma_start3A_112 = tpu.memref_slice %arg11[%dma_start3A_110, %dma_start3A_111] : memref<10240x128xf32, #tpu.memory_space<vmem_shared>> -> memref<10240x128xf32, #tpu.memory_space<vmem_shared>>
      tpu.enqueue_indirect_dma source(%arg10 : memref<128x128xf32, #tpu.memory_space<vmem>>) target(%dma_start3A_112 : memref<10240x128xf32, #tpu.memory_space<vmem_shared>>) offsets(%dma_start3A_109 : memref<128xi32, #tpu.memory_space<vmem>>) semaphore(%run_scoped3A_106 : memref<!tpu.dma_semaphore, #tpu.memory_space<semaphore_mem>>) {add = true}
      %dma_wait3A_113 = arith.constant 0 : i32
      %dma_wait3A_114 = tpu.memref_slice %arg8[%run_scoped3A_49, %dma_wait3A_113] : memref<40x128xi32, #tpu.memory_space<vmem>> -> memref<1x128xi32, #tpu.memory_space<vmem>>
      %dma_wait3A_115 = tpu.memref_squeeze %dma_wait3A_114 : memref<1x128xi32, #tpu.memory_space<vmem>> -> memref<128xi32, #tpu.memory_space<vmem>>
      %dma_wait3A_116 = arith.constant 0 : i32
      %dma_wait3A_117 = arith.constant 0 : i32
      %dma_wait3A_118 = tpu.memref_slice %arg11[%dma_wait3A_116, %dma_wait3A_117] : memref<10240x128xf32, #tpu.memory_space<vmem_shared>> -> memref<10240x128xf32, #tpu.memory_space<vmem_shared>>
      tpu.wait_indirect_dma semaphore(%run_scoped3A_106 : memref<!tpu.dma_semaphore, #tpu.memory_space<semaphore_mem>>) src(%arg10 : memref<128x128xf32, #tpu.memory_space<vmem>>) dst(%dma_wait3A_118 : memref<10240x128xf32, #tpu.memory_space<vmem_shared>>)
      tpu.yield
    }) : () -> ()
    %mul3A_50 = arith.constant 80 : i32
    %mul3A_51 = arith.muli %add3A, %mul3A_50 : i32
    %add3A_52 = arith.constant 40 : i32
    %add3A_53 = arith.addi %mul3A_51, %add3A_52 : i32
    "tpu.region"() ({
      %run_scoped3A_106 = tpu.sem_alloc : memref<!tpu.dma_semaphore, #tpu.memory_space<semaphore_mem>>
      %dma_start3A_107 = arith.constant 0 : i32
      %dma_start3A_108 = tpu.memref_slice %arg3[%add3A_53, %dma_start3A_107] : memref<2560x128xi32, #tpu.memory_space<hbm>> -> memref<40x128xi32, #tpu.memory_space<hbm>>
      %dma_start3A_109 = arith.constant 0 : i32
      %dma_start3A_110 = tpu.memref_slice %arg3[%add3A_53, %dma_start3A_109] : memref<2560x128xi32, #tpu.memory_space<hbm>> -> memref<40x128xi32, #tpu.memory_space<hbm>>
      tpu.enqueue_dma source(%dma_start3A_110 : memref<40x128xi32, #tpu.memory_space<hbm>>) target(%arg7 : memref<40x128xi32, #tpu.memory_space<vmem>>) target_semaphore(%run_scoped3A_106 : memref<!tpu.dma_semaphore, #tpu.memory_space<semaphore_mem>>)
      %dma_wait3A_111 = arith.constant 0 : i32
      %dma_wait3A_112 = tpu.memref_slice %arg3[%add3A_53, %dma_wait3A_111] : memref<2560x128xi32, #tpu.memory_space<hbm>> -> memref<40x128xi32, #tpu.memory_space<hbm>>
      %dma_wait3A_113 = arith.constant 0 : i32
      %dma_wait3A_114 = tpu.memref_slice %arg3[%add3A_53, %dma_wait3A_113] : memref<2560x128xi32, #tpu.memory_space<hbm>> -> memref<40x128xi32, #tpu.memory_space<hbm>>
      tpu.wait_dma2 semaphore(%run_scoped3A_106 : memref<!tpu.dma_semaphore, #tpu.memory_space<semaphore_mem>>) src(%dma_wait3A_114 : memref<40x128xi32, #tpu.memory_space<hbm>>) dst(%arg7 : memref<40x128xi32, #tpu.memory_space<vmem>>)
      tpu.yield
    }) : () -> ()
    "tpu.region"() ({
      %run_scoped3A_106 = tpu.sem_alloc : memref<!tpu.dma_semaphore, #tpu.memory_space<semaphore_mem>>
      %dma_start3A_107 = arith.constant 0 : i32
      %dma_start3A_108 = tpu.memref_slice %arg4[%add3A_53, %dma_start3A_107] : memref<2560x128xi32, #tpu.memory_space<hbm>> -> memref<40x128xi32, #tpu.memory_space<hbm>>
      %dma_start3A_109 = arith.constant 0 : i32
      %dma_start3A_110 = tpu.memref_slice %arg4[%add3A_53, %dma_start3A_109] : memref<2560x128xi32, #tpu.memory_space<hbm>> -> memref<40x128xi32, #tpu.memory_space<hbm>>
      tpu.enqueue_dma source(%dma_start3A_110 : memref<40x128xi32, #tpu.memory_space<hbm>>) target(%arg8 : memref<40x128xi32, #tpu.memory_space<vmem>>) target_semaphore(%run_scoped3A_106 : memref<!tpu.dma_semaphore, #tpu.memory_space<semaphore_mem>>)
      %dma_wait3A_111 = arith.constant 0 : i32
      %dma_wait3A_112 = tpu.memref_slice %arg4[%add3A_53, %dma_wait3A_111] : memref<2560x128xi32, #tpu.memory_space<hbm>> -> memref<40x128xi32, #tpu.memory_space<hbm>>
      %dma_wait3A_113 = arith.constant 0 : i32
      %dma_wait3A_114 = tpu.memref_slice %arg4[%add3A_53, %dma_wait3A_113] : memref<2560x128xi32, #tpu.memory_space<hbm>> -> memref<40x128xi32, #tpu.memory_space<hbm>>
      tpu.wait_dma2 semaphore(%run_scoped3A_106 : memref<!tpu.dma_semaphore, #tpu.memory_space<semaphore_mem>>) src(%dma_wait3A_114 : memref<40x128xi32, #tpu.memory_space<hbm>>) dst(%arg8 : memref<40x128xi32, #tpu.memory_space<vmem>>)
      tpu.yield
    }) : () -> ()
    %dma_start3A_54 = arith.constant 0 : i32
    %dma_start3A_55 = arith.constant 0 : i32
    %dma_start3A_56 = arith.constant 0 : i32
    %dma_start3A_57 = tpu.memref_slice %arg9[%dma_start3A_55, %dma_start3A_56] : memref<128x128xf32, #tpu.memory_space<vmem>> -> memref<128x128xf32, #tpu.memory_space<vmem>>
    %dma_start3A_58 = arith.constant 0 : i32
    %dma_start3A_59 = tpu.memref_slice %arg7[%dma_start3A_54, %dma_start3A_58] : memref<40x128xi32, #tpu.memory_space<vmem>> -> memref<1x128xi32, #tpu.memory_space<vmem>>
    %dma_start3A_60 = tpu.memref_squeeze %dma_start3A_59 : memref<1x128xi32, #tpu.memory_space<vmem>> -> memref<128xi32, #tpu.memory_space<vmem>>
    %dma_start3A_61 = arith.constant 0 : i32
    %dma_start3A_62 = arith.constant 0 : i32
    %dma_start3A_63 = tpu.memref_slice %arg2[%dma_start3A_61, %dma_start3A_62] : memref<10240x128xf32, #tpu.memory_space<hbm>> -> memref<10240x128xf32, #tpu.memory_space<hbm>>
    tpu.enqueue_indirect_dma source(%dma_start3A_63 : memref<10240x128xf32, #tpu.memory_space<hbm>>) target(%dma_start3A_57 : memref<128x128xf32, #tpu.memory_space<vmem>>) offsets(%dma_start3A_60 : memref<128xi32, #tpu.memory_space<vmem>>) semaphore(%arg12 : memref<!tpu.dma_semaphore, #tpu.memory_space<semaphore_mem>>)
    %scan3A_64 = arith.constant 0 : i32
    %scan3A_65 = arith.constant 19 : i32
    %scan3A_66 = arith.addi %scan3A_64, %scan3A_65 : i32
    %scan3A_67 = arith.constant 1 : i32
    scf.for %scan3A_106 = %scan3A_64 to %scan3A_66 step %scan3A_67  : i32 {
      %mul3A_107 = arith.constant 1 : i32
      %mul3A_108 = arith.muli %scan3A_106, %mul3A_107 : i32
      %add3A_109 = arith.constant 0 : i32
      %add3A_110 = arith.addi %add3A_109, %mul3A_108 : i32
      %mul3A_111 = arith.constant 2 : i32
      %mul3A_112 = arith.muli %add3A_110, %mul3A_111 : i32
      %add3A_113 = arith.constant 1 : i32
      %add3A_114 = arith.addi %mul3A_112, %add3A_113 : i32
      %dma_start3A_115 = arith.constant 0 : i32
      %dma_start3A_116 = arith.constant 0 : i32
      %dma_start3A_117 = tpu.memref_slice %arg10[%dma_start3A_115, %dma_start3A_116] : memref<128x128xf32, #tpu.memory_space<vmem>> -> memref<128x128xf32, #tpu.memory_space<vmem>>
      %dma_start3A_118 = arith.constant 0 : i32
      %dma_start3A_119 = tpu.memref_slice %arg7[%add3A_114, %dma_start3A_118] : memref<40x128xi32, #tpu.memory_space<vmem>> -> memref<1x128xi32, #tpu.memory_space<vmem>>
      %dma_start3A_120 = tpu.memref_squeeze %dma_start3A_119 : memref<1x128xi32, #tpu.memory_space<vmem>> -> memref<128xi32, #tpu.memory_space<vmem>>
      %dma_start3A_121 = arith.constant 0 : i32
      %dma_start3A_122 = arith.constant 0 : i32
      %dma_start3A_123 = tpu.memref_slice %arg2[%dma_start3A_121, %dma_start3A_122] : memref<10240x128xf32, #tpu.memory_space<hbm>> -> memref<10240x128xf32, #tpu.memory_space<hbm>>
      tpu.enqueue_indirect_dma source(%dma_start3A_123 : memref<10240x128xf32, #tpu.memory_space<hbm>>) target(%dma_start3A_117 : memref<128x128xf32, #tpu.memory_space<vmem>>) offsets(%dma_start3A_120 : memref<128xi32, #tpu.memory_space<vmem>>) semaphore(%arg13 : memref<!tpu.dma_semaphore, #tpu.memory_space<semaphore_mem>>)
      %dma_wait3A_124 = arith.constant 0 : i32
      %dma_wait3A_125 = arith.constant 0 : i32
      %dma_wait3A_126 = tpu.memref_slice %arg9[%dma_wait3A_124, %dma_wait3A_125] : memref<128x128xf32, #tpu.memory_space<vmem>> -> memref<128x128xf32, #tpu.memory_space<vmem>>
      %dma_wait3A_127 = arith.constant 0 : i32
      %dma_wait3A_128 = tpu.memref_slice %arg7[%mul3A_112, %dma_wait3A_127] : memref<40x128xi32, #tpu.memory_space<vmem>> -> memref<1x128xi32, #tpu.memory_space<vmem>>
      %dma_wait3A_129 = tpu.memref_squeeze %dma_wait3A_128 : memref<1x128xi32, #tpu.memory_space<vmem>> -> memref<128xi32, #tpu.memory_space<vmem>>
      %dma_wait3A_130 = arith.constant 0 : i32
      %dma_wait3A_131 = arith.constant 0 : i32
      %dma_wait3A_132 = tpu.memref_slice %arg2[%dma_wait3A_130, %dma_wait3A_131] : memref<10240x128xf32, #tpu.memory_space<hbm>> -> memref<10240x128xf32, #tpu.memory_space<hbm>>
      tpu.wait_indirect_dma semaphore(%arg12 : memref<!tpu.dma_semaphore, #tpu.memory_space<semaphore_mem>>) src(%dma_wait3A_132 : memref<10240x128xf32, #tpu.memory_space<hbm>>) dst(%dma_wait3A_126 : memref<128x128xf32, #tpu.memory_space<vmem>>)
      "tpu.region"() ({
        %run_scoped3A_157 = tpu.sem_alloc : memref<!tpu.dma_semaphore, #tpu.memory_space<semaphore_mem>>
        %dma_start3A_158 = arith.constant 0 : i32
        %dma_start3A_159 = tpu.memref_slice %arg8[%mul3A_112, %dma_start3A_158] : memref<40x128xi32, #tpu.memory_space<vmem>> -> memref<1x128xi32, #tpu.memory_space<vmem>>
        %dma_start3A_160 = tpu.memref_squeeze %dma_start3A_159 : memref<1x128xi32, #tpu.memory_space<vmem>> -> memref<128xi32, #tpu.memory_space<vmem>>
        %dma_start3A_161 = arith.constant 0 : i32
        %dma_start3A_162 = arith.constant 0 : i32
        %dma_start3A_163 = tpu.memref_slice %arg11[%dma_start3A_161, %dma_start3A_162] : memref<10240x128xf32, #tpu.memory_space<vmem_shared>> -> memref<10240x128xf32, #tpu.memory_space<vmem_shared>>
        tpu.enqueue_indirect_dma source(%arg9 : memref<128x128xf32, #tpu.memory_space<vmem>>) target(%dma_start3A_163 : memref<10240x128xf32, #tpu.memory_space<vmem_shared>>) offsets(%dma_start3A_160 : memref<128xi32, #tpu.memory_space<vmem>>) semaphore(%run_scoped3A_157 : memref<!tpu.dma_semaphore, #tpu.memory_space<semaphore_mem>>) {add = true}
        %dma_wait3A_164 = arith.constant 0 : i32
        %dma_wait3A_165 = tpu.memref_slice %arg8[%mul3A_112, %dma_wait3A_164] : memref<40x128xi32, #tpu.memory_space<vmem>> -> memref<1x128xi32, #tpu.memory_space<vmem>>
        %dma_wait3A_166 = tpu.memref_squeeze %dma_wait3A_165 : memref<1x128xi32, #tpu.memory_space<vmem>> -> memref<128xi32, #tpu.memory_space<vmem>>
        %dma_wait3A_167 = arith.constant 0 : i32
        %dma_wait3A_168 = arith.constant 0 : i32
        %dma_wait3A_169 = tpu.memref_slice %arg11[%dma_wait3A_167, %dma_wait3A_168] : memref<10240x128xf32, #tpu.memory_space<vmem_shared>> -> memref<10240x128xf32, #tpu.memory_space<vmem_shared>>
        tpu.wait_indirect_dma semaphore(%run_scoped3A_157 : memref<!tpu.dma_semaphore, #tpu.memory_space<semaphore_mem>>) src(%arg9 : memref<128x128xf32, #tpu.memory_space<vmem>>) dst(%dma_wait3A_169 : memref<10240x128xf32, #tpu.memory_space<vmem_shared>>)
        tpu.yield
      }) : () -> ()
      %add3A_133 = arith.constant 2 : i32
      %add3A_134 = arith.addi %mul3A_112, %add3A_133 : i32
      %dma_start3A_135 = arith.constant 0 : i32
      %dma_start3A_136 = arith.constant 0 : i32
      %dma_start3A_137 = tpu.memref_slice %arg9[%dma_start3A_135, %dma_start3A_136] : memref<128x128xf32, #tpu.memory_space<vmem>> -> memref<128x128xf32, #tpu.memory_space<vmem>>
      %dma_start3A_138 = arith.constant 0 : i32
      %dma_start3A_139 = tpu.memref_slice %arg7[%add3A_134, %dma_start3A_138] : memref<40x128xi32, #tpu.memory_space<vmem>> -> memref<1x128xi32, #tpu.memory_space<vmem>>
      %dma_start3A_140 = tpu.memref_squeeze %dma_start3A_139 : memref<1x128xi32, #tpu.memory_space<vmem>> -> memref<128xi32, #tpu.memory_space<vmem>>
      %dma_start3A_141 = arith.constant 0 : i32
      %dma_start3A_142 = arith.constant 0 : i32
      %dma_start3A_143 = tpu.memref_slice %arg2[%dma_start3A_141, %dma_start3A_142] : memref<10240x128xf32, #tpu.memory_space<hbm>> -> memref<10240x128xf32, #tpu.memory_space<hbm>>
      tpu.enqueue_indirect_dma source(%dma_start3A_143 : memref<10240x128xf32, #tpu.memory_space<hbm>>) target(%dma_start3A_137 : memref<128x128xf32, #tpu.memory_space<vmem>>) offsets(%dma_start3A_140 : memref<128xi32, #tpu.memory_space<vmem>>) semaphore(%arg12 : memref<!tpu.dma_semaphore, #tpu.memory_space<semaphore_mem>>)
      %add3A_144 = arith.constant 1 : i32
      %add3A_145 = arith.addi %mul3A_112, %add3A_144 : i32
      %dma_wait3A_146 = arith.constant 0 : i32
      %dma_wait3A_147 = arith.constant 0 : i32
      %dma_wait3A_148 = tpu.memref_slice %arg10[%dma_wait3A_146, %dma_wait3A_147] : memref<128x128xf32, #tpu.memory_space<vmem>> -> memref<128x128xf32, #tpu.memory_space<vmem>>
      %dma_wait3A_149 = arith.constant 0 : i32
      %dma_wait3A_150 = tpu.memref_slice %arg7[%add3A_145, %dma_wait3A_149] : memref<40x128xi32, #tpu.memory_space<vmem>> -> memref<1x128xi32, #tpu.memory_space<vmem>>
      %dma_wait3A_151 = tpu.memref_squeeze %dma_wait3A_150 : memref<1x128xi32, #tpu.memory_space<vmem>> -> memref<128xi32, #tpu.memory_space<vmem>>
      %dma_wait3A_152 = arith.constant 0 : i32
      %dma_wait3A_153 = arith.constant 0 : i32
      %dma_wait3A_154 = tpu.memref_slice %arg2[%dma_wait3A_152, %dma_wait3A_153] : memref<10240x128xf32, #tpu.memory_space<hbm>> -> memref<10240x128xf32, #tpu.memory_space<hbm>>
      tpu.wait_indirect_dma semaphore(%arg13 : memref<!tpu.dma_semaphore, #tpu.memory_space<semaphore_mem>>) src(%dma_wait3A_154 : memref<10240x128xf32, #tpu.memory_space<hbm>>) dst(%dma_wait3A_148 : memref<128x128xf32, #tpu.memory_space<vmem>>)
      %add3A_155 = arith.constant 1 : i32
      %add3A_156 = arith.addi %mul3A_112, %add3A_155 : i32
      "tpu.region"() ({
        %run_scoped3A_157 = tpu.sem_alloc : memref<!tpu.dma_semaphore, #tpu.memory_space<semaphore_mem>>
        %dma_start3A_158 = arith.constant 0 : i32
        %dma_start3A_159 = tpu.memref_slice %arg8[%add3A_156, %dma_start3A_158] : memref<40x128xi32, #tpu.memory_space<vmem>> -> memref<1x128xi32, #tpu.memory_space<vmem>>
        %dma_start3A_160 = tpu.memref_squeeze %dma_start3A_159 : memref<1x128xi32, #tpu.memory_space<vmem>> -> memref<128xi32, #tpu.memory_space<vmem>>
        %dma_start3A_161 = arith.constant 0 : i32
        %dma_start3A_162 = arith.constant 0 : i32
        %dma_start3A_163 = tpu.memref_slice %arg11[%dma_start3A_161, %dma_start3A_162] : memref<10240x128xf32, #tpu.memory_space<vmem_shared>> -> memref<10240x128xf32, #tpu.memory_space<vmem_shared>>
        tpu.enqueue_indirect_dma source(%arg10 : memref<128x128xf32, #tpu.memory_space<vmem>>) target(%dma_start3A_163 : memref<10240x128xf32, #tpu.memory_space<vmem_shared>>) offsets(%dma_start3A_160 : memref<128xi32, #tpu.memory_space<vmem>>) semaphore(%run_scoped3A_157 : memref<!tpu.dma_semaphore, #tpu.memory_space<semaphore_mem>>) {add = true}
        %dma_wait3A_164 = arith.constant 0 : i32
        %dma_wait3A_165 = tpu.memref_slice %arg8[%add3A_156, %dma_wait3A_164] : memref<40x128xi32, #tpu.memory_space<vmem>> -> memref<1x128xi32, #tpu.memory_space<vmem>>
        %dma_wait3A_166 = tpu.memref_squeeze %dma_wait3A_165 : memref<1x128xi32, #tpu.memory_space<vmem>> -> memref<128xi32, #tpu.memory_space<vmem>>
        %dma_wait3A_167 = arith.constant 0 : i32
        %dma_wait3A_168 = arith.constant 0 : i32
        %dma_wait3A_169 = tpu.memref_slice %arg11[%dma_wait3A_167, %dma_wait3A_168] : memref<10240x128xf32, #tpu.memory_space<vmem_shared>> -> memref<10240x128xf32, #tpu.memory_space<vmem_shared>>
        tpu.wait_indirect_dma semaphore(%run_scoped3A_157 : memref<!tpu.dma_semaphore, #tpu.memory_space<semaphore_mem>>) src(%arg10 : memref<128x128xf32, #tpu.memory_space<vmem>>) dst(%dma_wait3A_169 : memref<10240x128xf32, #tpu.memory_space<vmem_shared>>)
        tpu.yield
      }) : () -> ()
    }
    %scan3A_68 = arith.constant 19 : i32
    %dma_start3A_69 = arith.constant 39 : i32
    %dma_start3A_70 = arith.constant 0 : i32
    %dma_start3A_71 = arith.constant 0 : i32
    %dma_start3A_72 = tpu.memref_slice %arg10[%dma_start3A_70, %dma_start3A_71] : memref<128x128xf32, #tpu.memory_space<vmem>> -> memref<128x128xf32, #tpu.memory_space<vmem>>
    %dma_start3A_73 = arith.constant 0 : i32
    %dma_start3A_74 = tpu.memref_slice %arg7[%dma_start3A_69, %dma_start3A_73] : memref<40x128xi32, #tpu.memory_space<vmem>> -> memref<1x128xi32, #tpu.memory_space<vmem>>
    %dma_start3A_75 = tpu.memref_squeeze %dma_start3A_74 : memref<1x128xi32, #tpu.memory_space<vmem>> -> memref<128xi32, #tpu.memory_space<vmem>>
    %dma_start3A_76 = arith.constant 0 : i32
    %dma_start3A_77 = arith.constant 0 : i32
    %dma_start3A_78 = tpu.memref_slice %arg2[%dma_start3A_76, %dma_start3A_77] : memref<10240x128xf32, #tpu.memory_space<hbm>> -> memref<10240x128xf32, #tpu.memory_space<hbm>>
    tpu.enqueue_indirect_dma source(%dma_start3A_78 : memref<10240x128xf32, #tpu.memory_space<hbm>>) target(%dma_start3A_72 : memref<128x128xf32, #tpu.memory_space<vmem>>) offsets(%dma_start3A_75 : memref<128xi32, #tpu.memory_space<vmem>>) semaphore(%arg13 : memref<!tpu.dma_semaphore, #tpu.memory_space<semaphore_mem>>)
    %dma_wait3A_79 = arith.constant 38 : i32
    %dma_wait3A_80 = arith.constant 0 : i32
    %dma_wait3A_81 = arith.constant 0 : i32
    %dma_wait3A_82 = tpu.memref_slice %arg9[%dma_wait3A_80, %dma_wait3A_81] : memref<128x128xf32, #tpu.memory_space<vmem>> -> memref<128x128xf32, #tpu.memory_space<vmem>>
    %dma_wait3A_83 = arith.constant 0 : i32
    %dma_wait3A_84 = tpu.memref_slice %arg7[%dma_wait3A_79, %dma_wait3A_83] : memref<40x128xi32, #tpu.memory_space<vmem>> -> memref<1x128xi32, #tpu.memory_space<vmem>>
    %dma_wait3A_85 = tpu.memref_squeeze %dma_wait3A_84 : memref<1x128xi32, #tpu.memory_space<vmem>> -> memref<128xi32, #tpu.memory_space<vmem>>
    %dma_wait3A_86 = arith.constant 0 : i32
    %dma_wait3A_87 = arith.constant 0 : i32
    %dma_wait3A_88 = tpu.memref_slice %arg2[%dma_wait3A_86, %dma_wait3A_87] : memref<10240x128xf32, #tpu.memory_space<hbm>> -> memref<10240x128xf32, #tpu.memory_space<hbm>>
    tpu.wait_indirect_dma semaphore(%arg12 : memref<!tpu.dma_semaphore, #tpu.memory_space<semaphore_mem>>) src(%dma_wait3A_88 : memref<10240x128xf32, #tpu.memory_space<hbm>>) dst(%dma_wait3A_82 : memref<128x128xf32, #tpu.memory_space<vmem>>)
    %run_scoped3A_89 = arith.constant 38 : i32
    "tpu.region"() ({
      %run_scoped3A_106 = tpu.sem_alloc : memref<!tpu.dma_semaphore, #tpu.memory_space<semaphore_mem>>
      %dma_start3A_107 = arith.constant 0 : i32
      %dma_start3A_108 = tpu.memref_slice %arg8[%run_scoped3A_89, %dma_start3A_107] : memref<40x128xi32, #tpu.memory_space<vmem>> -> memref<1x128xi32, #tpu.memory_space<vmem>>
      %dma_start3A_109 = tpu.memref_squeeze %dma_start3A_108 : memref<1x128xi32, #tpu.memory_space<vmem>> -> memref<128xi32, #tpu.memory_space<vmem>>
      %dma_start3A_110 = arith.constant 0 : i32
      %dma_start3A_111 = arith.constant 0 : i32
      %dma_start3A_112 = tpu.memref_slice %arg11[%dma_start3A_110, %dma_start3A_111] : memref<10240x128xf32, #tpu.memory_space<vmem_shared>> -> memref<10240x128xf32, #tpu.memory_space<vmem_shared>>
      tpu.enqueue_indirect_dma source(%arg9 : memref<128x128xf32, #tpu.memory_space<vmem>>) target(%dma_start3A_112 : memref<10240x128xf32, #tpu.memory_space<vmem_shared>>) offsets(%dma_start3A_109 : memref<128xi32, #tpu.memory_space<vmem>>) semaphore(%run_scoped3A_106 : memref<!tpu.dma_semaphore, #tpu.memory_space<semaphore_mem>>) {add = true}
      %dma_wait3A_113 = arith.constant 0 : i32
      %dma_wait3A_114 = tpu.memref_slice %arg8[%run_scoped3A_89, %dma_wait3A_113] : memref<40x128xi32, #tpu.memory_space<vmem>> -> memref<1x128xi32, #tpu.memory_space<vmem>>
      %dma_wait3A_115 = tpu.memref_squeeze %dma_wait3A_114 : memref<1x128xi32, #tpu.memory_space<vmem>> -> memref<128xi32, #tpu.memory_space<vmem>>
      %dma_wait3A_116 = arith.constant 0 : i32
      %dma_wait3A_117 = arith.constant 0 : i32
      %dma_wait3A_118 = tpu.memref_slice %arg11[%dma_wait3A_116, %dma_wait3A_117] : memref<10240x128xf32, #tpu.memory_space<vmem_shared>> -> memref<10240x128xf32, #tpu.memory_space<vmem_shared>>
      tpu.wait_indirect_dma semaphore(%run_scoped3A_106 : memref<!tpu.dma_semaphore, #tpu.memory_space<semaphore_mem>>) src(%arg9 : memref<128x128xf32, #tpu.memory_space<vmem>>) dst(%dma_wait3A_118 : memref<10240x128xf32, #tpu.memory_space<vmem_shared>>)
      tpu.yield
    }) : () -> ()
    %dma_wait3A_90 = arith.constant 39 : i32
    %dma_wait3A_91 = arith.constant 0 : i32
    %dma_wait3A_92 = arith.constant 0 : i32
    %dma_wait3A_93 = tpu.memref_slice %arg10[%dma_wait3A_91, %dma_wait3A_92] : memref<128x128xf32, #tpu.memory_space<vmem>> -> memref<128x128xf32, #tpu.memory_space<vmem>>
    %dma_wait3A_94 = arith.constant 0 : i32
    %dma_wait3A_95 = tpu.memref_slice %arg7[%dma_wait3A_90, %dma_wait3A_94] : memref<40x128xi32, #tpu.memory_space<vmem>> -> memref<1x128xi32, #tpu.memory_space<vmem>>
    %dma_wait3A_96 = tpu.memref_squeeze %dma_wait3A_95 : memref<1x128xi32, #tpu.memory_space<vmem>> -> memref<128xi32, #tpu.memory_space<vmem>>
    %dma_wait3A_97 = arith.constant 0 : i32
    %dma_wait3A_98 = arith.constant 0 : i32
    %dma_wait3A_99 = tpu.memref_slice %arg2[%dma_wait3A_97, %dma_wait3A_98] : memref<10240x128xf32, #tpu.memory_space<hbm>> -> memref<10240x128xf32, #tpu.memory_space<hbm>>
    tpu.wait_indirect_dma semaphore(%arg13 : memref<!tpu.dma_semaphore, #tpu.memory_space<semaphore_mem>>) src(%dma_wait3A_99 : memref<10240x128xf32, #tpu.memory_space<hbm>>) dst(%dma_wait3A_93 : memref<128x128xf32, #tpu.memory_space<vmem>>)
    %run_scoped3A_100 = arith.constant 39 : i32
    "tpu.region"() ({
      %run_scoped3A_106 = tpu.sem_alloc : memref<!tpu.dma_semaphore, #tpu.memory_space<semaphore_mem>>
      %dma_start3A_107 = arith.constant 0 : i32
      %dma_start3A_108 = tpu.memref_slice %arg8[%run_scoped3A_100, %dma_start3A_107] : memref<40x128xi32, #tpu.memory_space<vmem>> -> memref<1x128xi32, #tpu.memory_space<vmem>>
      %dma_start3A_109 = tpu.memref_squeeze %dma_start3A_108 : memref<1x128xi32, #tpu.memory_space<vmem>> -> memref<128xi32, #tpu.memory_space<vmem>>
      %dma_start3A_110 = arith.constant 0 : i32
      %dma_start3A_111 = arith.constant 0 : i32
      %dma_start3A_112 = tpu.memref_slice %arg11[%dma_start3A_110, %dma_start3A_111] : memref<10240x128xf32, #tpu.memory_space<vmem_shared>> -> memref<10240x128xf32, #tpu.memory_space<vmem_shared>>
      tpu.enqueue_indirect_dma source(%arg10 : memref<128x128xf32, #tpu.memory_space<vmem>>) target(%dma_start3A_112 : memref<10240x128xf32, #tpu.memory_space<vmem_shared>>) offsets(%dma_start3A_109 : memref<128xi32, #tpu.memory_space<vmem>>) semaphore(%run_scoped3A_106 : memref<!tpu.dma_semaphore, #tpu.memory_space<semaphore_mem>>) {add = true}
      %dma_wait3A_113 = arith.constant 0 : i32
      %dma_wait3A_114 = tpu.memref_slice %arg8[%run_scoped3A_100, %dma_wait3A_113] : memref<40x128xi32, #tpu.memory_space<vmem>> -> memref<1x128xi32, #tpu.memory_space<vmem>>
      %dma_wait3A_115 = tpu.memref_squeeze %dma_wait3A_114 : memref<1x128xi32, #tpu.memory_space<vmem>> -> memref<128xi32, #tpu.memory_space<vmem>>
      %dma_wait3A_116 = arith.constant 0 : i32
      %dma_wait3A_117 = arith.constant 0 : i32
      %dma_wait3A_118 = tpu.memref_slice %arg11[%dma_wait3A_116, %dma_wait3A_117] : memref<10240x128xf32, #tpu.memory_space<vmem_shared>> -> memref<10240x128xf32, #tpu.memory_space<vmem_shared>>
      tpu.wait_indirect_dma semaphore(%run_scoped3A_106 : memref<!tpu.dma_semaphore, #tpu.memory_space<semaphore_mem>>) src(%arg10 : memref<128x128xf32, #tpu.memory_space<vmem>>) dst(%dma_wait3A_118 : memref<10240x128xf32, #tpu.memory_space<vmem_shared>>)
      tpu.yield
    }) : () -> ()
    %barrier3A_101 = arith.constant 0 : index
    tpu.barrier barrier_id(%barrier3A_101)
    %mul3A_102 = arith.constant 640 : i32
    %mul3A_103 = arith.muli %arg1, %mul3A_102 : i32
    %mul3A_104 = arith.constant 640 : i32
    %mul3A_105 = arith.muli %arg1, %mul3A_104 : i32
    "tpu.region"() ({
      %run_scoped3A_106 = tpu.sem_alloc : memref<!tpu.dma_semaphore, #tpu.memory_space<semaphore_mem>>
      %dma_start3A_107 = arith.constant 0 : i32
      %dma_start3A_108 = tpu.memref_slice %arg6[%arg0, %mul3A_105, %dma_start3A_107] : memref<2x10240x128xf32, #tpu.memory_space<hbm>> -> memref<1x640x128xf32, #tpu.memory_space<hbm>>
      %dma_start3A_109 = tpu.memref_squeeze %dma_start3A_108 : memref<1x640x128xf32, #tpu.memory_space<hbm>> -> memref<640x128xf32, #tpu.memory_space<hbm>>
      %dma_start3A_110 = arith.constant 0 : i32
      %dma_start3A_111 = tpu.memref_slice %arg11[%mul3A_103, %dma_start3A_110] : memref<10240x128xf32, #tpu.memory_space<vmem_shared>> -> memref<640x128xf32, #tpu.memory_space<vmem_shared>>
      tpu.enqueue_dma source(%dma_start3A_111 : memref<640x128xf32, #tpu.memory_space<vmem_shared>>) target(%dma_start3A_109 : memref<640x128xf32, #tpu.memory_space<hbm>>) target_semaphore(%run_scoped3A_106 : memref<!tpu.dma_semaphore, #tpu.memory_space<semaphore_mem>>)
      %dma_wait3A_112 = arith.constant 0 : i32
      %dma_wait3A_113 = tpu.memref_slice %arg6[%arg0, %mul3A_105, %dma_wait3A_112] : memref<2x10240x128xf32, #tpu.memory_space<hbm>> -> memref<1x640x128xf32, #tpu.memory_space<hbm>>
      %dma_wait3A_114 = tpu.memref_squeeze %dma_wait3A_113 : memref<1x640x128xf32, #tpu.memory_space<hbm>> -> memref<640x128xf32, #tpu.memory_space<hbm>>
      %dma_wait3A_115 = arith.constant 0 : i32
      %dma_wait3A_116 = tpu.memref_slice %arg11[%mul3A_103, %dma_wait3A_115] : memref<10240x128xf32, #tpu.memory_space<vmem_shared>> -> memref<640x128xf32, #tpu.memory_space<vmem_shared>>
      tpu.wait_dma2 semaphore(%run_scoped3A_106 : memref<!tpu.dma_semaphore, #tpu.memory_space<semaphore_mem>>) src(%dma_wait3A_116 : memref<640x128xf32, #tpu.memory_space<vmem_shared>>) dst(%dma_wait3A_114 : memref<640x128xf32, #tpu.memory_space<hbm>>)
      tpu.yield
    }) : () -> ()
    return
  }
}

#map = affine_map<(d0, d1) -> (0, 0)>
#map1 = affine_map<(d0, d1) -> (0, 0, 0)>
module attributes {stable_mosaic.version = 14 : i64} {
  func.func @_prop_body(%arg0: i32, %arg1: i32, %arg2: memref<10240x128xf32, #tpu.memory_space<hbm>>, %arg3: memref<2560x128xi32, #tpu.memory_space<hbm>>, %arg4: memref<2560x128xi32, #tpu.memory_space<hbm>>, %arg5: memref<640x128xf32, #tpu.memory_space<hbm>>, %arg6: memref<2x10240x128xf32, #tpu.memory_space<hbm>>, %arg7: memref<40x128xi32, #tpu.memory_space<vmem>>, %arg8: memref<40x128xi32, #tpu.memory_space<vmem>>, %arg9: memref<128x128xf32, #tpu.memory_space<vmem>>, %arg10: memref<128x128xf32, #tpu.memory_space<vmem>>, %arg11: memref<10240x128xf32, #tpu.memory_space<vmem_shared>>, %arg12: memref<!tpu.dma_semaphore, #tpu.memory_space<semaphore_mem>>, %arg13: memref<!tpu.dma_semaphore, #tpu.memory_space<semaphore_mem>>) attributes {dimension_semantics = [#tpu.dimension_semantics<core_parallel>, #tpu.dimension_semantics<subcore_parallel>], iteration_bounds = array<i64: 2, 16>, scalar_prefetch = 0 : i64, scratch_operands = 7 : i64, tpu.core_type = #tpu.core_type<sc_vector_subcore>, window_params = [{transform_indices = #map}, {transform_indices = #map}, {transform_indices = #map}, {transform_indices = #map}, {transform_indices = #map1}]} {
    %mul3A = arith.constant 16 : i32
    %mul3A_0 = arith.muli %arg0, %mul3A : i32
    %add3A = arith.addi %mul3A_0, %arg1 : i32
    %mul3A_1 = arith.constant 640 : i32
    %mul3A_2 = arith.muli %arg1, %mul3A_1 : i32
    "tpu.region"() ({
      %run_scoped3A_106 = tpu.sem_alloc : memref<!tpu.dma_semaphore, #tpu.memory_space<semaphore_mem>>
      %dma_start3A_107 = arith.constant 0 : i32
      %dma_start3A_108 = tpu.memref_slice %arg11[%mul3A_2, %dma_start3A_107] : memref<10240x128xf32, #tpu.memory_space<vmem_shared>> -> memref<640x128xf32, #tpu.memory_space<vmem_shared>>
      tpu.enqueue_dma source(%arg5 : memref<640x128xf32, #tpu.memory_space<hbm>>) target(%dma_start3A_108 : memref<640x128xf32, #tpu.memory_space<vmem_shared>>) target_semaphore(%run_scoped3A_106 : memref<!tpu.dma_semaphore, #tpu.memory_space<semaphore_mem>>)
      %dma_wait3A_109 = arith.constant 0 : i32
      %dma_wait3A_110 = tpu.memref_slice %arg11[%mul3A_2, %dma_wait3A_109] : memref<10240x128xf32, #tpu.memory_space<vmem_shared>> -> memref<640x128xf32, #tpu.memory_space<vmem_shared>>
      tpu.wait_dma2 semaphore(%run_scoped3A_106 : memref<!tpu.dma_semaphore, #tpu.memory_space<semaphore_mem>>) src(%arg5 : memref<640x128xf32, #tpu.memory_space<hbm>>) dst(%dma_wait3A_110 : memref<640x128xf32, #tpu.memory_space<vmem_shared>>)
      tpu.yield
    }) : () -> ()
    %barrier3A = arith.constant 0 : index
    tpu.barrier barrier_id(%barrier3A)
    %mul3A_3 = arith.constant 80 : i32
    %mul3A_4 = arith.muli %add3A, %mul3A_3 : i32
    %add3A_5 = arith.constant 0 : i32
    %add3A_6 = arith.addi %mul3A_4, %add3A_5 : i32
    "tpu.region"() ({
      %run_scoped3A_106 = tpu.sem_alloc : memref<!tpu.dma_semaphore, #tpu.memory_space<semaphore_mem>>
      %dma_start3A_107 = arith.constant 0 : i32
      %dma_start3A_108 = tpu.memref_slice %arg3[%add3A_6, %dma_start3A_107] : memref<2560x128xi32, #tpu.memory_space<hbm>> -> memref<40x128xi32, #tpu.memory_space<hbm>>
      %dma_start3A_109 = arith.constant 0 : i32
      %dma_start3A_110 = tpu.memref_slice %arg3[%add3A_6, %dma_start3A_109] : memref<2560x128xi32, #tpu.memory_space<hbm>> -> memref<40x128xi32, #tpu.memory_space<hbm>>
      tpu.enqueue_dma source(%dma_start3A_110 : memref<40x128xi32, #tpu.memory_space<hbm>>) target(%arg7 : memref<40x128xi32, #tpu.memory_space<vmem>>) target_semaphore(%run_scoped3A_106 : memref<!tpu.dma_semaphore, #tpu.memory_space<semaphore_mem>>)
      %dma_wait3A_111 = arith.constant 0 : i32
      %dma_wait3A_112 = tpu.memref_slice %arg3[%add3A_6, %dma_wait3A_111] : memref<2560x128xi32, #tpu.memory_space<hbm>> -> memref<40x128xi32, #tpu.memory_space<hbm>>
      %dma_wait3A_113 = arith.constant 0 : i32
      %dma_wait3A_114 = tpu.memref_slice %arg3[%add3A_6, %dma_wait3A_113] : memref<2560x128xi32, #tpu.memory_space<hbm>> -> memref<40x128xi32, #tpu.memory_space<hbm>>
      tpu.wait_dma2 semaphore(%run_scoped3A_106 : memref<!tpu.dma_semaphore, #tpu.memory_space<semaphore_mem>>) src(%dma_wait3A_114 : memref<40x128xi32, #tpu.memory_space<hbm>>) dst(%arg7 : memref<40x128xi32, #tpu.memory_space<vmem>>)
      tpu.yield
    }) : () -> ()
    "tpu.region"() ({
      %run_scoped3A_106 = tpu.sem_alloc : memref<!tpu.dma_semaphore, #tpu.memory_space<semaphore_mem>>
      %dma_start3A_107 = arith.constant 0 : i32
      %dma_start3A_108 = tpu.memref_slice %arg4[%add3A_6, %dma_start3A_107] : memref<2560x128xi32, #tpu.memory_space<hbm>> -> memref<40x128xi32, #tpu.memory_space<hbm>>
      %dma_start3A_109 = arith.constant 0 : i32
      %dma_start3A_110 = tpu.memref_slice %arg4[%add3A_6, %dma_start3A_109] : memref<2560x128xi32, #tpu.memory_space<hbm>> -> memref<40x128xi32, #tpu.memory_space<hbm>>
      tpu.enqueue_dma source(%dma_start3A_110 : memref<40x128xi32, #tpu.memory_space<hbm>>) target(%arg8 : memref<40x128xi32, #tpu.memory_space<vmem>>) target_semaphore(%run_scoped3A_106 : memref<!tpu.dma_semaphore, #tpu.memory_space<semaphore_mem>>)
      %dma_wait3A_111 = arith.constant 0 : i32
      %dma_wait3A_112 = tpu.memref_slice %arg4[%add3A_6, %dma_wait3A_111] : memref<2560x128xi32, #tpu.memory_space<hbm>> -> memref<40x128xi32, #tpu.memory_space<hbm>>
      %dma_wait3A_113 = arith.constant 0 : i32
      %dma_wait3A_114 = tpu.memref_slice %arg4[%add3A_6, %dma_wait3A_113] : memref<2560x128xi32, #tpu.memory_space<hbm>> -> memref<40x128xi32, #tpu.memory_space<hbm>>
      tpu.wait_dma2 semaphore(%run_scoped3A_106 : memref<!tpu.dma_semaphore, #tpu.memory_space<semaphore_mem>>) src(%dma_wait3A_114 : memref<40x128xi32, #tpu.memory_space<hbm>>) dst(%arg8 : memref<40x128xi32, #tpu.memory_space<vmem>>)
      tpu.yield
    }) : () -> ()
    %dma_start3A = arith.constant 0 : i32
    %dma_start3A_7 = arith.constant 0 : i32
    %dma_start3A_8 = arith.constant 0 : i32
    %dma_start3A_9 = tpu.memref_slice %arg9[%dma_start3A_7, %dma_start3A_8] : memref<128x128xf32, #tpu.memory_space<vmem>> -> memref<128x128xf32, #tpu.memory_space<vmem>>
    %dma_start3A_10 = arith.constant 0 : i32
    %dma_start3A_11 = tpu.memref_slice %arg7[%dma_start3A, %dma_start3A_10] : memref<40x128xi32, #tpu.memory_space<vmem>> -> memref<1x128xi32, #tpu.memory_space<vmem>>
    %dma_start3A_12 = tpu.memref_squeeze %dma_start3A_11 : memref<1x128xi32, #tpu.memory_space<vmem>> -> memref<128xi32, #tpu.memory_space<vmem>>
    %dma_start3A_13 = arith.constant 0 : i32
    %dma_start3A_14 = arith.constant 0 : i32
    %dma_start3A_15 = tpu.memref_slice %arg2[%dma_start3A_13, %dma_start3A_14] : memref<10240x128xf32, #tpu.memory_space<hbm>> -> memref<10240x128xf32, #tpu.memory_space<hbm>>
    tpu.enqueue_indirect_dma source(%dma_start3A_15 : memref<10240x128xf32, #tpu.memory_space<hbm>>) target(%dma_start3A_9 : memref<128x128xf32, #tpu.memory_space<vmem>>) offsets(%dma_start3A_12 : memref<128xi32, #tpu.memory_space<vmem>>) semaphore(%arg12 : memref<!tpu.dma_semaphore, #tpu.memory_space<semaphore_mem>>)
    %scan3A = arith.constant 0 : i32
    %scan3A_16 = arith.constant 19 : i32
    %scan3A_17 = arith.addi %scan3A, %scan3A_16 : i32
    %scan3A_18 = arith.constant 1 : i32
    scf.for %scan3A_106 = %scan3A to %scan3A_17 step %scan3A_18  : i32 {
      %mul3A_107 = arith.constant 1 : i32
      %mul3A_108 = arith.muli %scan3A_106, %mul3A_107 : i32
      %add3A_109 = arith.constant 0 : i32
      %add3A_110 = arith.addi %add3A_109, %mul3A_108 : i32
      %mul3A_111 = arith.constant 2 : i32
      %mul3A_112 = arith.muli %add3A_110, %mul3A_111 : i32
      %add3A_113 = arith.constant 1 : i32
      %add3A_114 = arith.addi %mul3A_112, %add3A_113 : i32
      %dma_start3A_115 = arith.constant 0 : i32
      %dma_start3A_116 = arith.constant 0 : i32
      %dma_start3A_117 = tpu.memref_slice %arg10[%dma_start3A_115, %dma_start3A_116] : memref<128x128xf32, #tpu.memory_space<vmem>> -> memref<128x128xf32, #tpu.memory_space<vmem>>
      %dma_start3A_118 = arith.constant 0 : i32
      %dma_start3A_119 = tpu.memref_slice %arg7[%add3A_114, %dma_start3A_118] : memref<40x128xi32, #tpu.memory_space<vmem>> -> memref<1x128xi32, #tpu.memory_space<vmem>>
      %dma_start3A_120 = tpu.memref_squeeze %dma_start3A_119 : memref<1x128xi32, #tpu.memory_space<vmem>> -> memref<128xi32, #tpu.memory_space<vmem>>
      %dma_start3A_121 = arith.constant 0 : i32
      %dma_start3A_122 = arith.constant 0 : i32
      %dma_start3A_123 = tpu.memref_slice %arg2[%dma_start3A_121, %dma_start3A_122] : memref<10240x128xf32, #tpu.memory_space<hbm>> -> memref<10240x128xf32, #tpu.memory_space<hbm>>
      tpu.enqueue_indirect_dma source(%dma_start3A_123 : memref<10240x128xf32, #tpu.memory_space<hbm>>) target(%dma_start3A_117 : memref<128x128xf32, #tpu.memory_space<vmem>>) offsets(%dma_start3A_120 : memref<128xi32, #tpu.memory_space<vmem>>) semaphore(%arg13 : memref<!tpu.dma_semaphore, #tpu.memory_space<semaphore_mem>>)
      %dma_wait3A_124 = arith.constant 0 : i32
      %dma_wait3A_125 = arith.constant 0 : i32
      %dma_wait3A_126 = tpu.memref_slice %arg9[%dma_wait3A_124, %dma_wait3A_125] : memref<128x128xf32, #tpu.memory_space<vmem>> -> memref<128x128xf32, #tpu.memory_space<vmem>>
      %dma_wait3A_127 = arith.constant 0 : i32
      %dma_wait3A_128 = tpu.memref_slice %arg7[%mul3A_112, %dma_wait3A_127] : memref<40x128xi32, #tpu.memory_space<vmem>> -> memref<1x128xi32, #tpu.memory_space<vmem>>
      %dma_wait3A_129 = tpu.memref_squeeze %dma_wait3A_128 : memref<1x128xi32, #tpu.memory_space<vmem>> -> memref<128xi32, #tpu.memory_space<vmem>>
      %dma_wait3A_130 = arith.constant 0 : i32
      %dma_wait3A_131 = arith.constant 0 : i32
      %dma_wait3A_132 = tpu.memref_slice %arg2[%dma_wait3A_130, %dma_wait3A_131] : memref<10240x128xf32, #tpu.memory_space<hbm>> -> memref<10240x128xf32, #tpu.memory_space<hbm>>
      tpu.wait_indirect_dma semaphore(%arg12 : memref<!tpu.dma_semaphore, #tpu.memory_space<semaphore_mem>>) src(%dma_wait3A_132 : memref<10240x128xf32, #tpu.memory_space<hbm>>) dst(%dma_wait3A_126 : memref<128x128xf32, #tpu.memory_space<vmem>>)
      "tpu.region"() ({
        %run_scoped3A_157 = tpu.sem_alloc : memref<!tpu.dma_semaphore, #tpu.memory_space<semaphore_mem>>
        %dma_start3A_158 = arith.constant 0 : i32
        %dma_start3A_159 = tpu.memref_slice %arg8[%mul3A_112, %dma_start3A_158] : memref<40x128xi32, #tpu.memory_space<vmem>> -> memref<1x128xi32, #tpu.memory_space<vmem>>
        %dma_start3A_160 = tpu.memref_squeeze %dma_start3A_159 : memref<1x128xi32, #tpu.memory_space<vmem>> -> memref<128xi32, #tpu.memory_space<vmem>>
        %dma_start3A_161 = arith.constant 0 : i32
        %dma_start3A_162 = arith.constant 0 : i32
        %dma_start3A_163 = tpu.memref_slice %arg11[%dma_start3A_161, %dma_start3A_162] : memref<10240x128xf32, #tpu.memory_space<vmem_shared>> -> memref<10240x128xf32, #tpu.memory_space<vmem_shared>>
        tpu.enqueue_indirect_dma source(%arg9 : memref<128x128xf32, #tpu.memory_space<vmem>>) target(%dma_start3A_163 : memref<10240x128xf32, #tpu.memory_space<vmem_shared>>) offsets(%dma_start3A_160 : memref<128xi32, #tpu.memory_space<vmem>>) semaphore(%run_scoped3A_157 : memref<!tpu.dma_semaphore, #tpu.memory_space<semaphore_mem>>) {add = true}
        %dma_wait3A_164 = arith.constant 0 : i32
        %dma_wait3A_165 = tpu.memref_slice %arg8[%mul3A_112, %dma_wait3A_164] : memref<40x128xi32, #tpu.memory_space<vmem>> -> memref<1x128xi32, #tpu.memory_space<vmem>>
        %dma_wait3A_166 = tpu.memref_squeeze %dma_wait3A_165 : memref<1x128xi32, #tpu.memory_space<vmem>> -> memref<128xi32, #tpu.memory_space<vmem>>
        %dma_wait3A_167 = arith.constant 0 : i32
        %dma_wait3A_168 = arith.constant 0 : i32
        %dma_wait3A_169 = tpu.memref_slice %arg11[%dma_wait3A_167, %dma_wait3A_168] : memref<10240x128xf32, #tpu.memory_space<vmem_shared>> -> memref<10240x128xf32, #tpu.memory_space<vmem_shared>>
        tpu.wait_indirect_dma semaphore(%run_scoped3A_157 : memref<!tpu.dma_semaphore, #tpu.memory_space<semaphore_mem>>) src(%arg9 : memref<128x128xf32, #tpu.memory_space<vmem>>) dst(%dma_wait3A_169 : memref<10240x128xf32, #tpu.memory_space<vmem_shared>>)
        tpu.yield
      }) : () -> ()
      %add3A_133 = arith.constant 2 : i32
      %add3A_134 = arith.addi %mul3A_112, %add3A_133 : i32
      %dma_start3A_135 = arith.constant 0 : i32
      %dma_start3A_136 = arith.constant 0 : i32
      %dma_start3A_137 = tpu.memref_slice %arg9[%dma_start3A_135, %dma_start3A_136] : memref<128x128xf32, #tpu.memory_space<vmem>> -> memref<128x128xf32, #tpu.memory_space<vmem>>
      %dma_start3A_138 = arith.constant 0 : i32
      %dma_start3A_139 = tpu.memref_slice %arg7[%add3A_134, %dma_start3A_138] : memref<40x128xi32, #tpu.memory_space<vmem>> -> memref<1x128xi32, #tpu.memory_space<vmem>>
      %dma_start3A_140 = tpu.memref_squeeze %dma_start3A_139 : memref<1x128xi32, #tpu.memory_space<vmem>> -> memref<128xi32, #tpu.memory_space<vmem>>
      %dma_start3A_141 = arith.constant 0 : i32
      %dma_start3A_142 = arith.constant 0 : i32
      %dma_start3A_143 = tpu.memref_slice %arg2[%dma_start3A_141, %dma_start3A_142] : memref<10240x128xf32, #tpu.memory_space<hbm>> -> memref<10240x128xf32, #tpu.memory_space<hbm>>
      tpu.enqueue_indirect_dma source(%dma_start3A_143 : memref<10240x128xf32, #tpu.memory_space<hbm>>) target(%dma_start3A_137 : memref<128x128xf32, #tpu.memory_space<vmem>>) offsets(%dma_start3A_140 : memref<128xi32, #tpu.memory_space<vmem>>) semaphore(%arg12 : memref<!tpu.dma_semaphore, #tpu.memory_space<semaphore_mem>>)
      %add3A_144 = arith.constant 1 : i32
      %add3A_145 = arith.addi %mul3A_112, %add3A_144 : i32
      %dma_wait3A_146 = arith.constant 0 : i32
      %dma_wait3A_147 = arith.constant 0 : i32
      %dma_wait3A_148 = tpu.memref_slice %arg10[%dma_wait3A_146, %dma_wait3A_147] : memref<128x128xf32, #tpu.memory_space<vmem>> -> memref<128x128xf32, #tpu.memory_space<vmem>>
      %dma_wait3A_149 = arith.constant 0 : i32
      %dma_wait3A_150 = tpu.memref_slice %arg7[%add3A_145, %dma_wait3A_149] : memref<40x128xi32, #tpu.memory_space<vmem>> -> memref<1x128xi32, #tpu.memory_space<vmem>>
      %dma_wait3A_151 = tpu.memref_squeeze %dma_wait3A_150 : memref<1x128xi32, #tpu.memory_space<vmem>> -> memref<128xi32, #tpu.memory_space<vmem>>
      %dma_wait3A_152 = arith.constant 0 : i32
      %dma_wait3A_153 = arith.constant 0 : i32
      %dma_wait3A_154 = tpu.memref_slice %arg2[%dma_wait3A_152, %dma_wait3A_153] : memref<10240x128xf32, #tpu.memory_space<hbm>> -> memref<10240x128xf32, #tpu.memory_space<hbm>>
      tpu.wait_indirect_dma semaphore(%arg13 : memref<!tpu.dma_semaphore, #tpu.memory_space<semaphore_mem>>) src(%dma_wait3A_154 : memref<10240x128xf32, #tpu.memory_space<hbm>>) dst(%dma_wait3A_148 : memref<128x128xf32, #tpu.memory_space<vmem>>)
      %add3A_155 = arith.constant 1 : i32
      %add3A_156 = arith.addi %mul3A_112, %add3A_155 : i32
      "tpu.region"() ({
        %run_scoped3A_157 = tpu.sem_alloc : memref<!tpu.dma_semaphore, #tpu.memory_space<semaphore_mem>>
        %dma_start3A_158 = arith.constant 0 : i32
        %dma_start3A_159 = tpu.memref_slice %arg8[%add3A_156, %dma_start3A_158] : memref<40x128xi32, #tpu.memory_space<vmem>> -> memref<1x128xi32, #tpu.memory_space<vmem>>
        %dma_start3A_160 = tpu.memref_squeeze %dma_start3A_159 : memref<1x128xi32, #tpu.memory_space<vmem>> -> memref<128xi32, #tpu.memory_space<vmem>>
        %dma_start3A_161 = arith.constant 0 : i32
        %dma_start3A_162 = arith.constant 0 : i32
        %dma_start3A_163 = tpu.memref_slice %arg11[%dma_start3A_161, %dma_start3A_162] : memref<10240x128xf32, #tpu.memory_space<vmem_shared>> -> memref<10240x128xf32, #tpu.memory_space<vmem_shared>>
        tpu.enqueue_indirect_dma source(%arg10 : memref<128x128xf32, #tpu.memory_space<vmem>>) target(%dma_start3A_163 : memref<10240x128xf32, #tpu.memory_space<vmem_shared>>) offsets(%dma_start3A_160 : memref<128xi32, #tpu.memory_space<vmem>>) semaphore(%run_scoped3A_157 : memref<!tpu.dma_semaphore, #tpu.memory_space<semaphore_mem>>) {add = true}
        %dma_wait3A_164 = arith.constant 0 : i32
        %dma_wait3A_165 = tpu.memref_slice %arg8[%add3A_156, %dma_wait3A_164] : memref<40x128xi32, #tpu.memory_space<vmem>> -> memref<1x128xi32, #tpu.memory_space<vmem>>
        %dma_wait3A_166 = tpu.memref_squeeze %dma_wait3A_165 : memref<1x128xi32, #tpu.memory_space<vmem>> -> memref<128xi32, #tpu.memory_space<vmem>>
        %dma_wait3A_167 = arith.constant 0 : i32
        %dma_wait3A_168 = arith.constant 0 : i32
        %dma_wait3A_169 = tpu.memref_slice %arg11[%dma_wait3A_167, %dma_wait3A_168] : memref<10240x128xf32, #tpu.memory_space<vmem_shared>> -> memref<10240x128xf32, #tpu.memory_space<vmem_shared>>
        tpu.wait_indirect_dma semaphore(%run_scoped3A_157 : memref<!tpu.dma_semaphore, #tpu.memory_space<semaphore_mem>>) src(%arg10 : memref<128x128xf32, #tpu.memory_space<vmem>>) dst(%dma_wait3A_169 : memref<10240x128xf32, #tpu.memory_space<vmem_shared>>)
        tpu.yield
      }) : () -> ()
    }
    %scan3A_19 = arith.constant 19 : i32
    %dma_start3A_20 = arith.constant 39 : i32
    %dma_start3A_21 = arith.constant 0 : i32
    %dma_start3A_22 = arith.constant 0 : i32
    %dma_start3A_23 = tpu.memref_slice %arg10[%dma_start3A_21, %dma_start3A_22] : memref<128x128xf32, #tpu.memory_space<vmem>> -> memref<128x128xf32, #tpu.memory_space<vmem>>
    %dma_start3A_24 = arith.constant 0 : i32
    %dma_start3A_25 = tpu.memref_slice %arg7[%dma_start3A_20, %dma_start3A_24] : memref<40x128xi32, #tpu.memory_space<vmem>> -> memref<1x128xi32, #tpu.memory_space<vmem>>
    %dma_start3A_26 = tpu.memref_squeeze %dma_start3A_25 : memref<1x128xi32, #tpu.memory_space<vmem>> -> memref<128xi32, #tpu.memory_space<vmem>>
    %dma_start3A_27 = arith.constant 0 : i32
    %dma_start3A_28 = arith.constant 0 : i32
    %dma_start3A_29 = tpu.memref_slice %arg2[%dma_start3A_27, %dma_start3A_28] : memref<10240x128xf32, #tpu.memory_space<hbm>> -> memref<10240x128xf32, #tpu.memory_space<hbm>>
    tpu.enqueue_indirect_dma source(%dma_start3A_29 : memref<10240x128xf32, #tpu.memory_space<hbm>>) target(%dma_start3A_23 : memref<128x128xf32, #tpu.memory_space<vmem>>) offsets(%dma_start3A_26 : memref<128xi32, #tpu.memory_space<vmem>>) semaphore(%arg13 : memref<!tpu.dma_semaphore, #tpu.memory_space<semaphore_mem>>)
    %dma_wait3A = arith.constant 38 : i32
    %dma_wait3A_30 = arith.constant 0 : i32
    %dma_wait3A_31 = arith.constant 0 : i32
    %dma_wait3A_32 = tpu.memref_slice %arg9[%dma_wait3A_30, %dma_wait3A_31] : memref<128x128xf32, #tpu.memory_space<vmem>> -> memref<128x128xf32, #tpu.memory_space<vmem>>
    %dma_wait3A_33 = arith.constant 0 : i32
    %dma_wait3A_34 = tpu.memref_slice %arg7[%dma_wait3A, %dma_wait3A_33] : memref<40x128xi32, #tpu.memory_space<vmem>> -> memref<1x128xi32, #tpu.memory_space<vmem>>
    %dma_wait3A_35 = tpu.memref_squeeze %dma_wait3A_34 : memref<1x128xi32, #tpu.memory_space<vmem>> -> memref<128xi32, #tpu.memory_space<vmem>>
    %dma_wait3A_36 = arith.constant 0 : i32
    %dma_wait3A_37 = arith.constant 0 : i32
    %dma_wait3A_38 = tpu.memref_slice %arg2[%dma_wait3A_36, %dma_wait3A_37] : memref<10240x128xf32, #tpu.memory_space<hbm>> -> memref<10240x128xf32, #tpu.memory_space<hbm>>
    tpu.wait_indirect_dma semaphore(%arg12 : memref<!tpu.dma_semaphore, #tpu.memory_space<semaphore_mem>>) src(%dma_wait3A_38 : memref<10240x128xf32, #tpu.memory_space<hbm>>) dst(%dma_wait3A_32 : memref<128x128xf32, #tpu.memory_space<vmem>>)
    %run_scoped3A = arith.constant 38 : i32
    "tpu.region"() ({
      %run_scoped3A_106 = tpu.sem_alloc : memref<!tpu.dma_semaphore, #tpu.memory_space<semaphore_mem>>
      %dma_start3A_107 = arith.constant 0 : i32
      %dma_start3A_108 = tpu.memref_slice %arg8[%run_scoped3A, %dma_start3A_107] : memref<40x128xi32, #tpu.memory_space<vmem>> -> memref<1x128xi32, #tpu.memory_space<vmem>>
      %dma_start3A_109 = tpu.memref_squeeze %dma_start3A_108 : memref<1x128xi32, #tpu.memory_space<vmem>> -> memref<128xi32, #tpu.memory_space<vmem>>
      %dma_start3A_110 = arith.constant 0 : i32
      %dma_start3A_111 = arith.constant 0 : i32
      %dma_start3A_112 = tpu.memref_slice %arg11[%dma_start3A_110, %dma_start3A_111] : memref<10240x128xf32, #tpu.memory_space<vmem_shared>> -> memref<10240x128xf32, #tpu.memory_space<vmem_shared>>
      tpu.enqueue_indirect_dma source(%arg9 : memref<128x128xf32, #tpu.memory_space<vmem>>) target(%dma_start3A_112 : memref<10240x128xf32, #tpu.memory_space<vmem_shared>>) offsets(%dma_start3A_109 : memref<128xi32, #tpu.memory_space<vmem>>) semaphore(%run_scoped3A_106 : memref<!tpu.dma_semaphore, #tpu.memory_space<semaphore_mem>>) {add = true}
      %dma_wait3A_113 = arith.constant 0 : i32
      %dma_wait3A_114 = tpu.memref_slice %arg8[%run_scoped3A, %dma_wait3A_113] : memref<40x128xi32, #tpu.memory_space<vmem>> -> memref<1x128xi32, #tpu.memory_space<vmem>>
      %dma_wait3A_115 = tpu.memref_squeeze %dma_wait3A_114 : memref<1x128xi32, #tpu.memory_space<vmem>> -> memref<128xi32, #tpu.memory_space<vmem>>
      %dma_wait3A_116 = arith.constant 0 : i32
      %dma_wait3A_117 = arith.constant 0 : i32
      %dma_wait3A_118 = tpu.memref_slice %arg11[%dma_wait3A_116, %dma_wait3A_117] : memref<10240x128xf32, #tpu.memory_space<vmem_shared>> -> memref<10240x128xf32, #tpu.memory_space<vmem_shared>>
      tpu.wait_indirect_dma semaphore(%run_scoped3A_106 : memref<!tpu.dma_semaphore, #tpu.memory_space<semaphore_mem>>) src(%arg9 : memref<128x128xf32, #tpu.memory_space<vmem>>) dst(%dma_wait3A_118 : memref<10240x128xf32, #tpu.memory_space<vmem_shared>>)
      tpu.yield
    }) : () -> ()
    %dma_wait3A_39 = arith.constant 39 : i32
    %dma_wait3A_40 = arith.constant 0 : i32
    %dma_wait3A_41 = arith.constant 0 : i32
    %dma_wait3A_42 = tpu.memref_slice %arg10[%dma_wait3A_40, %dma_wait3A_41] : memref<128x128xf32, #tpu.memory_space<vmem>> -> memref<128x128xf32, #tpu.memory_space<vmem>>
    %dma_wait3A_43 = arith.constant 0 : i32
    %dma_wait3A_44 = tpu.memref_slice %arg7[%dma_wait3A_39, %dma_wait3A_43] : memref<40x128xi32, #tpu.memory_space<vmem>> -> memref<1x128xi32, #tpu.memory_space<vmem>>
    %dma_wait3A_45 = tpu.memref_squeeze %dma_wait3A_44 : memref<1x128xi32, #tpu.memory_space<vmem>> -> memref<128xi32, #tpu.memory_space<vmem>>
    %dma_wait3A_46 = arith.constant 0 : i32
    %dma_wait3A_47 = arith.constant 0 : i32
    %dma_wait3A_48 = tpu.memref_slice %arg2[%dma_wait3A_46, %dma_wait3A_47] : memref<10240x128xf32, #tpu.memory_space<hbm>> -> memref<10240x128xf32, #tpu.memory_space<hbm>>
    tpu.wait_indirect_dma semaphore(%arg13 : memref<!tpu.dma_semaphore, #tpu.memory_space<semaphore_mem>>) src(%dma_wait3A_48 : memref<10240x128xf32, #tpu.memory_space<hbm>>) dst(%dma_wait3A_42 : memref<128x128xf32, #tpu.memory_space<vmem>>)
    %run_scoped3A_49 = arith.constant 39 : i32
    "tpu.region"() ({
      %run_scoped3A_106 = tpu.sem_alloc : memref<!tpu.dma_semaphore, #tpu.memory_space<semaphore_mem>>
      %dma_start3A_107 = arith.constant 0 : i32
      %dma_start3A_108 = tpu.memref_slice %arg8[%run_scoped3A_49, %dma_start3A_107] : memref<40x128xi32, #tpu.memory_space<vmem>> -> memref<1x128xi32, #tpu.memory_space<vmem>>
      %dma_start3A_109 = tpu.memref_squeeze %dma_start3A_108 : memref<1x128xi32, #tpu.memory_space<vmem>> -> memref<128xi32, #tpu.memory_space<vmem>>
      %dma_start3A_110 = arith.constant 0 : i32
      %dma_start3A_111 = arith.constant 0 : i32
      %dma_start3A_112 = tpu.memref_slice %arg11[%dma_start3A_110, %dma_start3A_111] : memref<10240x128xf32, #tpu.memory_space<vmem_shared>> -> memref<10240x128xf32, #tpu.memory_space<vmem_shared>>
      tpu.enqueue_indirect_dma source(%arg10 : memref<128x128xf32, #tpu.memory_space<vmem>>) target(%dma_start3A_112 : memref<10240x128xf32, #tpu.memory_space<vmem_shared>>) offsets(%dma_start3A_109 : memref<128xi32, #tpu.memory_space<vmem>>) semaphore(%run_scoped3A_106 : memref<!tpu.dma_semaphore, #tpu.memory_space<semaphore_mem>>) {add = true}
      %dma_wait3A_113 = arith.constant 0 : i32
      %dma_wait3A_114 = tpu.memref_slice %arg8[%run_scoped3A_49, %dma_wait3A_113] : memref<40x128xi32, #tpu.memory_space<vmem>> -> memref<1x128xi32, #tpu.memory_space<vmem>>
      %dma_wait3A_115 = tpu.memref_squeeze %dma_wait3A_114 : memref<1x128xi32, #tpu.memory_space<vmem>> -> memref<128xi32, #tpu.memory_space<vmem>>
      %dma_wait3A_116 = arith.constant 0 : i32
      %dma_wait3A_117 = arith.constant 0 : i32
      %dma_wait3A_118 = tpu.memref_slice %arg11[%dma_wait3A_116, %dma_wait3A_117] : memref<10240x128xf32, #tpu.memory_space<vmem_shared>> -> memref<10240x128xf32, #tpu.memory_space<vmem_shared>>
      tpu.wait_indirect_dma semaphore(%run_scoped3A_106 : memref<!tpu.dma_semaphore, #tpu.memory_space<semaphore_mem>>) src(%arg10 : memref<128x128xf32, #tpu.memory_space<vmem>>) dst(%dma_wait3A_118 : memref<10240x128xf32, #tpu.memory_space<vmem_shared>>)
      tpu.yield
    }) : () -> ()
    %mul3A_50 = arith.constant 80 : i32
    %mul3A_51 = arith.muli %add3A, %mul3A_50 : i32
    %add3A_52 = arith.constant 40 : i32
    %add3A_53 = arith.addi %mul3A_51, %add3A_52 : i32
    "tpu.region"() ({
      %run_scoped3A_106 = tpu.sem_alloc : memref<!tpu.dma_semaphore, #tpu.memory_space<semaphore_mem>>
      %dma_start3A_107 = arith.constant 0 : i32
      %dma_start3A_108 = tpu.memref_slice %arg3[%add3A_53, %dma_start3A_107] : memref<2560x128xi32, #tpu.memory_space<hbm>> -> memref<40x128xi32, #tpu.memory_space<hbm>>
      %dma_start3A_109 = arith.constant 0 : i32
      %dma_start3A_110 = tpu.memref_slice %arg3[%add3A_53, %dma_start3A_109] : memref<2560x128xi32, #tpu.memory_space<hbm>> -> memref<40x128xi32, #tpu.memory_space<hbm>>
      tpu.enqueue_dma source(%dma_start3A_110 : memref<40x128xi32, #tpu.memory_space<hbm>>) target(%arg7 : memref<40x128xi32, #tpu.memory_space<vmem>>) target_semaphore(%run_scoped3A_106 : memref<!tpu.dma_semaphore, #tpu.memory_space<semaphore_mem>>)
      %dma_wait3A_111 = arith.constant 0 : i32
      %dma_wait3A_112 = tpu.memref_slice %arg3[%add3A_53, %dma_wait3A_111] : memref<2560x128xi32, #tpu.memory_space<hbm>> -> memref<40x128xi32, #tpu.memory_space<hbm>>
      %dma_wait3A_113 = arith.constant 0 : i32
      %dma_wait3A_114 = tpu.memref_slice %arg3[%add3A_53, %dma_wait3A_113] : memref<2560x128xi32, #tpu.memory_space<hbm>> -> memref<40x128xi32, #tpu.memory_space<hbm>>
      tpu.wait_dma2 semaphore(%run_scoped3A_106 : memref<!tpu.dma_semaphore, #tpu.memory_space<semaphore_mem>>) src(%dma_wait3A_114 : memref<40x128xi32, #tpu.memory_space<hbm>>) dst(%arg7 : memref<40x128xi32, #tpu.memory_space<vmem>>)
      tpu.yield
    }) : () -> ()
    "tpu.region"() ({
      %run_scoped3A_106 = tpu.sem_alloc : memref<!tpu.dma_semaphore, #tpu.memory_space<semaphore_mem>>
      %dma_start3A_107 = arith.constant 0 : i32
      %dma_start3A_108 = tpu.memref_slice %arg4[%add3A_53, %dma_start3A_107] : memref<2560x128xi32, #tpu.memory_space<hbm>> -> memref<40x128xi32, #tpu.memory_space<hbm>>
      %dma_start3A_109 = arith.constant 0 : i32
      %dma_start3A_110 = tpu.memref_slice %arg4[%add3A_53, %dma_start3A_109] : memref<2560x128xi32, #tpu.memory_space<hbm>> -> memref<40x128xi32, #tpu.memory_space<hbm>>
      tpu.enqueue_dma source(%dma_start3A_110 : memref<40x128xi32, #tpu.memory_space<hbm>>) target(%arg8 : memref<40x128xi32, #tpu.memory_space<vmem>>) target_semaphore(%run_scoped3A_106 : memref<!tpu.dma_semaphore, #tpu.memory_space<semaphore_mem>>)
      %dma_wait3A_111 = arith.constant 0 : i32
      %dma_wait3A_112 = tpu.memref_slice %arg4[%add3A_53, %dma_wait3A_111] : memref<2560x128xi32, #tpu.memory_space<hbm>> -> memref<40x128xi32, #tpu.memory_space<hbm>>
      %dma_wait3A_113 = arith.constant 0 : i32
      %dma_wait3A_114 = tpu.memref_slice %arg4[%add3A_53, %dma_wait3A_113] : memref<2560x128xi32, #tpu.memory_space<hbm>> -> memref<40x128xi32, #tpu.memory_space<hbm>>
      tpu.wait_dma2 semaphore(%run_scoped3A_106 : memref<!tpu.dma_semaphore, #tpu.memory_space<semaphore_mem>>) src(%dma_wait3A_114 : memref<40x128xi32, #tpu.memory_space<hbm>>) dst(%arg8 : memref<40x128xi32, #tpu.memory_space<vmem>>)
      tpu.yield
    }) : () -> ()
    %dma_start3A_54 = arith.constant 0 : i32
    %dma_start3A_55 = arith.constant 0 : i32
    %dma_start3A_56 = arith.constant 0 : i32
    %dma_start3A_57 = tpu.memref_slice %arg9[%dma_start3A_55, %dma_start3A_56] : memref<128x128xf32, #tpu.memory_space<vmem>> -> memref<128x128xf32, #tpu.memory_space<vmem>>
    %dma_start3A_58 = arith.constant 0 : i32
    %dma_start3A_59 = tpu.memref_slice %arg7[%dma_start3A_54, %dma_start3A_58] : memref<40x128xi32, #tpu.memory_space<vmem>> -> memref<1x128xi32, #tpu.memory_space<vmem>>
    %dma_start3A_60 = tpu.memref_squeeze %dma_start3A_59 : memref<1x128xi32, #tpu.memory_space<vmem>> -> memref<128xi32, #tpu.memory_space<vmem>>
    %dma_start3A_61 = arith.constant 0 : i32
    %dma_start3A_62 = arith.constant 0 : i32
    %dma_start3A_63 = tpu.memref_slice %arg2[%dma_start3A_61, %dma_start3A_62] : memref<10240x128xf32, #tpu.memory_space<hbm>> -> memref<10240x128xf32, #tpu.memory_space<hbm>>
    tpu.enqueue_indirect_dma source(%dma_start3A_63 : memref<10240x128xf32, #tpu.memory_space<hbm>>) target(%dma_start3A_57 : memref<128x128xf32, #tpu.memory_space<vmem>>) offsets(%dma_start3A_60 : memref<128xi32, #tpu.memory_space<vmem>>) semaphore(%arg12 : memref<!tpu.dma_semaphore, #tpu.memory_space<semaphore_mem>>)
    %scan3A_64 = arith.constant 0 : i32
    %scan3A_65 = arith.constant 19 : i32
    %scan3A_66 = arith.addi %scan3A_64, %scan3A_65 : i32
    %scan3A_67 = arith.constant 1 : i32
    scf.for %scan3A_106 = %scan3A_64 to %scan3A_66 step %scan3A_67  : i32 {
      %mul3A_107 = arith.constant 1 : i32
      %mul3A_108 = arith.muli %scan3A_106, %mul3A_107 : i32
      %add3A_109 = arith.constant 0 : i32
      %add3A_110 = arith.addi %add3A_109, %mul3A_108 : i32
      %mul3A_111 = arith.constant 2 : i32
      %mul3A_112 = arith.muli %add3A_110, %mul3A_111 : i32
      %add3A_113 = arith.constant 1 : i32
      %add3A_114 = arith.addi %mul3A_112, %add3A_113 : i32
      %dma_start3A_115 = arith.constant 0 : i32
      %dma_start3A_116 = arith.constant 0 : i32
      %dma_start3A_117 = tpu.memref_slice %arg10[%dma_start3A_115, %dma_start3A_116] : memref<128x128xf32, #tpu.memory_space<vmem>> -> memref<128x128xf32, #tpu.memory_space<vmem>>
      %dma_start3A_118 = arith.constant 0 : i32
      %dma_start3A_119 = tpu.memref_slice %arg7[%add3A_114, %dma_start3A_118] : memref<40x128xi32, #tpu.memory_space<vmem>> -> memref<1x128xi32, #tpu.memory_space<vmem>>
      %dma_start3A_120 = tpu.memref_squeeze %dma_start3A_119 : memref<1x128xi32, #tpu.memory_space<vmem>> -> memref<128xi32, #tpu.memory_space<vmem>>
      %dma_start3A_121 = arith.constant 0 : i32
      %dma_start3A_122 = arith.constant 0 : i32
      %dma_start3A_123 = tpu.memref_slice %arg2[%dma_start3A_121, %dma_start3A_122] : memref<10240x128xf32, #tpu.memory_space<hbm>> -> memref<10240x128xf32, #tpu.memory_space<hbm>>
      tpu.enqueue_indirect_dma source(%dma_start3A_123 : memref<10240x128xf32, #tpu.memory_space<hbm>>) target(%dma_start3A_117 : memref<128x128xf32, #tpu.memory_space<vmem>>) offsets(%dma_start3A_120 : memref<128xi32, #tpu.memory_space<vmem>>) semaphore(%arg13 : memref<!tpu.dma_semaphore, #tpu.memory_space<semaphore_mem>>)
      %dma_wait3A_124 = arith.constant 0 : i32
      %dma_wait3A_125 = arith.constant 0 : i32
      %dma_wait3A_126 = tpu.memref_slice %arg9[%dma_wait3A_124, %dma_wait3A_125] : memref<128x128xf32, #tpu.memory_space<vmem>> -> memref<128x128xf32, #tpu.memory_space<vmem>>
      %dma_wait3A_127 = arith.constant 0 : i32
      %dma_wait3A_128 = tpu.memref_slice %arg7[%mul3A_112, %dma_wait3A_127] : memref<40x128xi32, #tpu.memory_space<vmem>> -> memref<1x128xi32, #tpu.memory_space<vmem>>
      %dma_wait3A_129 = tpu.memref_squeeze %dma_wait3A_128 : memref<1x128xi32, #tpu.memory_space<vmem>> -> memref<128xi32, #tpu.memory_space<vmem>>
      %dma_wait3A_130 = arith.constant 0 : i32
      %dma_wait3A_131 = arith.constant 0 : i32
      %dma_wait3A_132 = tpu.memref_slice %arg2[%dma_wait3A_130, %dma_wait3A_131] : memref<10240x128xf32, #tpu.memory_space<hbm>> -> memref<10240x128xf32, #tpu.memory_space<hbm>>
      tpu.wait_indirect_dma semaphore(%arg12 : memref<!tpu.dma_semaphore, #tpu.memory_space<semaphore_mem>>) src(%dma_wait3A_132 : memref<10240x128xf32, #tpu.memory_space<hbm>>) dst(%dma_wait3A_126 : memref<128x128xf32, #tpu.memory_space<vmem>>)
      "tpu.region"() ({
        %run_scoped3A_157 = tpu.sem_alloc : memref<!tpu.dma_semaphore, #tpu.memory_space<semaphore_mem>>
        %dma_start3A_158 = arith.constant 0 : i32
        %dma_start3A_159 = tpu.memref_slice %arg8[%mul3A_112, %dma_start3A_158] : memref<40x128xi32, #tpu.memory_space<vmem>> -> memref<1x128xi32, #tpu.memory_space<vmem>>
        %dma_start3A_160 = tpu.memref_squeeze %dma_start3A_159 : memref<1x128xi32, #tpu.memory_space<vmem>> -> memref<128xi32, #tpu.memory_space<vmem>>
        %dma_start3A_161 = arith.constant 0 : i32
        %dma_start3A_162 = arith.constant 0 : i32
        %dma_start3A_163 = tpu.memref_slice %arg11[%dma_start3A_161, %dma_start3A_162] : memref<10240x128xf32, #tpu.memory_space<vmem_shared>> -> memref<10240x128xf32, #tpu.memory_space<vmem_shared>>
        tpu.enqueue_indirect_dma source(%arg9 : memref<128x128xf32, #tpu.memory_space<vmem>>) target(%dma_start3A_163 : memref<10240x128xf32, #tpu.memory_space<vmem_shared>>) offsets(%dma_start3A_160 : memref<128xi32, #tpu.memory_space<vmem>>) semaphore(%run_scoped3A_157 : memref<!tpu.dma_semaphore, #tpu.memory_space<semaphore_mem>>) {add = true}
        %dma_wait3A_164 = arith.constant 0 : i32
        %dma_wait3A_165 = tpu.memref_slice %arg8[%mul3A_112, %dma_wait3A_164] : memref<40x128xi32, #tpu.memory_space<vmem>> -> memref<1x128xi32, #tpu.memory_space<vmem>>
        %dma_wait3A_166 = tpu.memref_squeeze %dma_wait3A_165 : memref<1x128xi32, #tpu.memory_space<vmem>> -> memref<128xi32, #tpu.memory_space<vmem>>
        %dma_wait3A_167 = arith.constant 0 : i32
        %dma_wait3A_168 = arith.constant 0 : i32
        %dma_wait3A_169 = tpu.memref_slice %arg11[%dma_wait3A_167, %dma_wait3A_168] : memref<10240x128xf32, #tpu.memory_space<vmem_shared>> -> memref<10240x128xf32, #tpu.memory_space<vmem_shared>>
        tpu.wait_indirect_dma semaphore(%run_scoped3A_157 : memref<!tpu.dma_semaphore, #tpu.memory_space<semaphore_mem>>) src(%arg9 : memref<128x128xf32, #tpu.memory_space<vmem>>) dst(%dma_wait3A_169 : memref<10240x128xf32, #tpu.memory_space<vmem_shared>>)
        tpu.yield
      }) : () -> ()
      %add3A_133 = arith.constant 2 : i32
      %add3A_134 = arith.addi %mul3A_112, %add3A_133 : i32
      %dma_start3A_135 = arith.constant 0 : i32
      %dma_start3A_136 = arith.constant 0 : i32
      %dma_start3A_137 = tpu.memref_slice %arg9[%dma_start3A_135, %dma_start3A_136] : memref<128x128xf32, #tpu.memory_space<vmem>> -> memref<128x128xf32, #tpu.memory_space<vmem>>
      %dma_start3A_138 = arith.constant 0 : i32
      %dma_start3A_139 = tpu.memref_slice %arg7[%add3A_134, %dma_start3A_138] : memref<40x128xi32, #tpu.memory_space<vmem>> -> memref<1x128xi32, #tpu.memory_space<vmem>>
      %dma_start3A_140 = tpu.memref_squeeze %dma_start3A_139 : memref<1x128xi32, #tpu.memory_space<vmem>> -> memref<128xi32, #tpu.memory_space<vmem>>
      %dma_start3A_141 = arith.constant 0 : i32
      %dma_start3A_142 = arith.constant 0 : i32
      %dma_start3A_143 = tpu.memref_slice %arg2[%dma_start3A_141, %dma_start3A_142] : memref<10240x128xf32, #tpu.memory_space<hbm>> -> memref<10240x128xf32, #tpu.memory_space<hbm>>
      tpu.enqueue_indirect_dma source(%dma_start3A_143 : memref<10240x128xf32, #tpu.memory_space<hbm>>) target(%dma_start3A_137 : memref<128x128xf32, #tpu.memory_space<vmem>>) offsets(%dma_start3A_140 : memref<128xi32, #tpu.memory_space<vmem>>) semaphore(%arg12 : memref<!tpu.dma_semaphore, #tpu.memory_space<semaphore_mem>>)
      %add3A_144 = arith.constant 1 : i32
      %add3A_145 = arith.addi %mul3A_112, %add3A_144 : i32
      %dma_wait3A_146 = arith.constant 0 : i32
      %dma_wait3A_147 = arith.constant 0 : i32
      %dma_wait3A_148 = tpu.memref_slice %arg10[%dma_wait3A_146, %dma_wait3A_147] : memref<128x128xf32, #tpu.memory_space<vmem>> -> memref<128x128xf32, #tpu.memory_space<vmem>>
      %dma_wait3A_149 = arith.constant 0 : i32
      %dma_wait3A_150 = tpu.memref_slice %arg7[%add3A_145, %dma_wait3A_149] : memref<40x128xi32, #tpu.memory_space<vmem>> -> memref<1x128xi32, #tpu.memory_space<vmem>>
      %dma_wait3A_151 = tpu.memref_squeeze %dma_wait3A_150 : memref<1x128xi32, #tpu.memory_space<vmem>> -> memref<128xi32, #tpu.memory_space<vmem>>
      %dma_wait3A_152 = arith.constant 0 : i32
      %dma_wait3A_153 = arith.constant 0 : i32
      %dma_wait3A_154 = tpu.memref_slice %arg2[%dma_wait3A_152, %dma_wait3A_153] : memref<10240x128xf32, #tpu.memory_space<hbm>> -> memref<10240x128xf32, #tpu.memory_space<hbm>>
      tpu.wait_indirect_dma semaphore(%arg13 : memref<!tpu.dma_semaphore, #tpu.memory_space<semaphore_mem>>) src(%dma_wait3A_154 : memref<10240x128xf32, #tpu.memory_space<hbm>>) dst(%dma_wait3A_148 : memref<128x128xf32, #tpu.memory_space<vmem>>)
      %add3A_155 = arith.constant 1 : i32
      %add3A_156 = arith.addi %mul3A_112, %add3A_155 : i32
      "tpu.region"() ({
        %run_scoped3A_157 = tpu.sem_alloc : memref<!tpu.dma_semaphore, #tpu.memory_space<semaphore_mem>>
        %dma_start3A_158 = arith.constant 0 : i32
        %dma_start3A_159 = tpu.memref_slice %arg8[%add3A_156, %dma_start3A_158] : memref<40x128xi32, #tpu.memory_space<vmem>> -> memref<1x128xi32, #tpu.memory_space<vmem>>
        %dma_start3A_160 = tpu.memref_squeeze %dma_start3A_159 : memref<1x128xi32, #tpu.memory_space<vmem>> -> memref<128xi32, #tpu.memory_space<vmem>>
        %dma_start3A_161 = arith.constant 0 : i32
        %dma_start3A_162 = arith.constant 0 : i32
        %dma_start3A_163 = tpu.memref_slice %arg11[%dma_start3A_161, %dma_start3A_162] : memref<10240x128xf32, #tpu.memory_space<vmem_shared>> -> memref<10240x128xf32, #tpu.memory_space<vmem_shared>>
        tpu.enqueue_indirect_dma source(%arg10 : memref<128x128xf32, #tpu.memory_space<vmem>>) target(%dma_start3A_163 : memref<10240x128xf32, #tpu.memory_space<vmem_shared>>) offsets(%dma_start3A_160 : memref<128xi32, #tpu.memory_space<vmem>>) semaphore(%run_scoped3A_157 : memref<!tpu.dma_semaphore, #tpu.memory_space<semaphore_mem>>) {add = true}
        %dma_wait3A_164 = arith.constant 0 : i32
        %dma_wait3A_165 = tpu.memref_slice %arg8[%add3A_156, %dma_wait3A_164] : memref<40x128xi32, #tpu.memory_space<vmem>> -> memref<1x128xi32, #tpu.memory_space<vmem>>
        %dma_wait3A_166 = tpu.memref_squeeze %dma_wait3A_165 : memref<1x128xi32, #tpu.memory_space<vmem>> -> memref<128xi32, #tpu.memory_space<vmem>>
        %dma_wait3A_167 = arith.constant 0 : i32
        %dma_wait3A_168 = arith.constant 0 : i32
        %dma_wait3A_169 = tpu.memref_slice %arg11[%dma_wait3A_167, %dma_wait3A_168] : memref<10240x128xf32, #tpu.memory_space<vmem_shared>> -> memref<10240x128xf32, #tpu.memory_space<vmem_shared>>
        tpu.wait_indirect_dma semaphore(%run_scoped3A_157 : memref<!tpu.dma_semaphore, #tpu.memory_space<semaphore_mem>>) src(%arg10 : memref<128x128xf32, #tpu.memory_space<vmem>>) dst(%dma_wait3A_169 : memref<10240x128xf32, #tpu.memory_space<vmem_shared>>)
        tpu.yield
      }) : () -> ()
    }
    %scan3A_68 = arith.constant 19 : i32
    %dma_start3A_69 = arith.constant 39 : i32
    %dma_start3A_70 = arith.constant 0 : i32
    %dma_start3A_71 = arith.constant 0 : i32
    %dma_start3A_72 = tpu.memref_slice %arg10[%dma_start3A_70, %dma_start3A_71] : memref<128x128xf32, #tpu.memory_space<vmem>> -> memref<128x128xf32, #tpu.memory_space<vmem>>
    %dma_start3A_73 = arith.constant 0 : i32
    %dma_start3A_74 = tpu.memref_slice %arg7[%dma_start3A_69, %dma_start3A_73] : memref<40x128xi32, #tpu.memory_space<vmem>> -> memref<1x128xi32, #tpu.memory_space<vmem>>
    %dma_start3A_75 = tpu.memref_squeeze %dma_start3A_74 : memref<1x128xi32, #tpu.memory_space<vmem>> -> memref<128xi32, #tpu.memory_space<vmem>>
    %dma_start3A_76 = arith.constant 0 : i32
    %dma_start3A_77 = arith.constant 0 : i32
    %dma_start3A_78 = tpu.memref_slice %arg2[%dma_start3A_76, %dma_start3A_77] : memref<10240x128xf32, #tpu.memory_space<hbm>> -> memref<10240x128xf32, #tpu.memory_space<hbm>>
    tpu.enqueue_indirect_dma source(%dma_start3A_78 : memref<10240x128xf32, #tpu.memory_space<hbm>>) target(%dma_start3A_72 : memref<128x128xf32, #tpu.memory_space<vmem>>) offsets(%dma_start3A_75 : memref<128xi32, #tpu.memory_space<vmem>>) semaphore(%arg13 : memref<!tpu.dma_semaphore, #tpu.memory_space<semaphore_mem>>)
    %dma_wait3A_79 = arith.constant 38 : i32
    %dma_wait3A_80 = arith.constant 0 : i32
    %dma_wait3A_81 = arith.constant 0 : i32
    %dma_wait3A_82 = tpu.memref_slice %arg9[%dma_wait3A_80, %dma_wait3A_81] : memref<128x128xf32, #tpu.memory_space<vmem>> -> memref<128x128xf32, #tpu.memory_space<vmem>>
    %dma_wait3A_83 = arith.constant 0 : i32
    %dma_wait3A_84 = tpu.memref_slice %arg7[%dma_wait3A_79, %dma_wait3A_83] : memref<40x128xi32, #tpu.memory_space<vmem>> -> memref<1x128xi32, #tpu.memory_space<vmem>>
    %dma_wait3A_85 = tpu.memref_squeeze %dma_wait3A_84 : memref<1x128xi32, #tpu.memory_space<vmem>> -> memref<128xi32, #tpu.memory_space<vmem>>
    %dma_wait3A_86 = arith.constant 0 : i32
    %dma_wait3A_87 = arith.constant 0 : i32
    %dma_wait3A_88 = tpu.memref_slice %arg2[%dma_wait3A_86, %dma_wait3A_87] : memref<10240x128xf32, #tpu.memory_space<hbm>> -> memref<10240x128xf32, #tpu.memory_space<hbm>>
    tpu.wait_indirect_dma semaphore(%arg12 : memref<!tpu.dma_semaphore, #tpu.memory_space<semaphore_mem>>) src(%dma_wait3A_88 : memref<10240x128xf32, #tpu.memory_space<hbm>>) dst(%dma_wait3A_82 : memref<128x128xf32, #tpu.memory_space<vmem>>)
    %run_scoped3A_89 = arith.constant 38 : i32
    "tpu.region"() ({
      %run_scoped3A_106 = tpu.sem_alloc : memref<!tpu.dma_semaphore, #tpu.memory_space<semaphore_mem>>
      %dma_start3A_107 = arith.constant 0 : i32
      %dma_start3A_108 = tpu.memref_slice %arg8[%run_scoped3A_89, %dma_start3A_107] : memref<40x128xi32, #tpu.memory_space<vmem>> -> memref<1x128xi32, #tpu.memory_space<vmem>>
      %dma_start3A_109 = tpu.memref_squeeze %dma_start3A_108 : memref<1x128xi32, #tpu.memory_space<vmem>> -> memref<128xi32, #tpu.memory_space<vmem>>
      %dma_start3A_110 = arith.constant 0 : i32
      %dma_start3A_111 = arith.constant 0 : i32
      %dma_start3A_112 = tpu.memref_slice %arg11[%dma_start3A_110, %dma_start3A_111] : memref<10240x128xf32, #tpu.memory_space<vmem_shared>> -> memref<10240x128xf32, #tpu.memory_space<vmem_shared>>
      tpu.enqueue_indirect_dma source(%arg9 : memref<128x128xf32, #tpu.memory_space<vmem>>) target(%dma_start3A_112 : memref<10240x128xf32, #tpu.memory_space<vmem_shared>>) offsets(%dma_start3A_109 : memref<128xi32, #tpu.memory_space<vmem>>) semaphore(%run_scoped3A_106 : memref<!tpu.dma_semaphore, #tpu.memory_space<semaphore_mem>>) {add = true}
      %dma_wait3A_113 = arith.constant 0 : i32
      %dma_wait3A_114 = tpu.memref_slice %arg8[%run_scoped3A_89, %dma_wait3A_113] : memref<40x128xi32, #tpu.memory_space<vmem>> -> memref<1x128xi32, #tpu.memory_space<vmem>>
      %dma_wait3A_115 = tpu.memref_squeeze %dma_wait3A_114 : memref<1x128xi32, #tpu.memory_space<vmem>> -> memref<128xi32, #tpu.memory_space<vmem>>
      %dma_wait3A_116 = arith.constant 0 : i32
      %dma_wait3A_117 = arith.constant 0 : i32
      %dma_wait3A_118 = tpu.memref_slice %arg11[%dma_wait3A_116, %dma_wait3A_117] : memref<10240x128xf32, #tpu.memory_space<vmem_shared>> -> memref<10240x128xf32, #tpu.memory_space<vmem_shared>>
      tpu.wait_indirect_dma semaphore(%run_scoped3A_106 : memref<!tpu.dma_semaphore, #tpu.memory_space<semaphore_mem>>) src(%arg9 : memref<128x128xf32, #tpu.memory_space<vmem>>) dst(%dma_wait3A_118 : memref<10240x128xf32, #tpu.memory_space<vmem_shared>>)
      tpu.yield
    }) : () -> ()
    %dma_wait3A_90 = arith.constant 39 : i32
    %dma_wait3A_91 = arith.constant 0 : i32
    %dma_wait3A_92 = arith.constant 0 : i32
    %dma_wait3A_93 = tpu.memref_slice %arg10[%dma_wait3A_91, %dma_wait3A_92] : memref<128x128xf32, #tpu.memory_space<vmem>> -> memref<128x128xf32, #tpu.memory_space<vmem>>
    %dma_wait3A_94 = arith.constant 0 : i32
    %dma_wait3A_95 = tpu.memref_slice %arg7[%dma_wait3A_90, %dma_wait3A_94] : memref<40x128xi32, #tpu.memory_space<vmem>> -> memref<1x128xi32, #tpu.memory_space<vmem>>
    %dma_wait3A_96 = tpu.memref_squeeze %dma_wait3A_95 : memref<1x128xi32, #tpu.memory_space<vmem>> -> memref<128xi32, #tpu.memory_space<vmem>>
    %dma_wait3A_97 = arith.constant 0 : i32
    %dma_wait3A_98 = arith.constant 0 : i32
    %dma_wait3A_99 = tpu.memref_slice %arg2[%dma_wait3A_97, %dma_wait3A_98] : memref<10240x128xf32, #tpu.memory_space<hbm>> -> memref<10240x128xf32, #tpu.memory_space<hbm>>
    tpu.wait_indirect_dma semaphore(%arg13 : memref<!tpu.dma_semaphore, #tpu.memory_space<semaphore_mem>>) src(%dma_wait3A_99 : memref<10240x128xf32, #tpu.memory_space<hbm>>) dst(%dma_wait3A_93 : memref<128x128xf32, #tpu.memory_space<vmem>>)
    %run_scoped3A_100 = arith.constant 39 : i32
    "tpu.region"() ({
      %run_scoped3A_106 = tpu.sem_alloc : memref<!tpu.dma_semaphore, #tpu.memory_space<semaphore_mem>>
      %dma_start3A_107 = arith.constant 0 : i32
      %dma_start3A_108 = tpu.memref_slice %arg8[%run_scoped3A_100, %dma_start3A_107] : memref<40x128xi32, #tpu.memory_space<vmem>> -> memref<1x128xi32, #tpu.memory_space<vmem>>
      %dma_start3A_109 = tpu.memref_squeeze %dma_start3A_108 : memref<1x128xi32, #tpu.memory_space<vmem>> -> memref<128xi32, #tpu.memory_space<vmem>>
      %dma_start3A_110 = arith.constant 0 : i32
      %dma_start3A_111 = arith.constant 0 : i32
      %dma_start3A_112 = tpu.memref_slice %arg11[%dma_start3A_110, %dma_start3A_111] : memref<10240x128xf32, #tpu.memory_space<vmem_shared>> -> memref<10240x128xf32, #tpu.memory_space<vmem_shared>>
      tpu.enqueue_indirect_dma source(%arg10 : memref<128x128xf32, #tpu.memory_space<vmem>>) target(%dma_start3A_112 : memref<10240x128xf32, #tpu.memory_space<vmem_shared>>) offsets(%dma_start3A_109 : memref<128xi32, #tpu.memory_space<vmem>>) semaphore(%run_scoped3A_106 : memref<!tpu.dma_semaphore, #tpu.memory_space<semaphore_mem>>) {add = true}
      %dma_wait3A_113 = arith.constant 0 : i32
      %dma_wait3A_114 = tpu.memref_slice %arg8[%run_scoped3A_100, %dma_wait3A_113] : memref<40x128xi32, #tpu.memory_space<vmem>> -> memref<1x128xi32, #tpu.memory_space<vmem>>
      %dma_wait3A_115 = tpu.memref_squeeze %dma_wait3A_114 : memref<1x128xi32, #tpu.memory_space<vmem>> -> memref<128xi32, #tpu.memory_space<vmem>>
      %dma_wait3A_116 = arith.constant 0 : i32
      %dma_wait3A_117 = arith.constant 0 : i32
      %dma_wait3A_118 = tpu.memref_slice %arg11[%dma_wait3A_116, %dma_wait3A_117] : memref<10240x128xf32, #tpu.memory_space<vmem_shared>> -> memref<10240x128xf32, #tpu.memory_space<vmem_shared>>
      tpu.wait_indirect_dma semaphore(%run_scoped3A_106 : memref<!tpu.dma_semaphore, #tpu.memory_space<semaphore_mem>>) src(%arg10 : memref<128x128xf32, #tpu.memory_space<vmem>>) dst(%dma_wait3A_118 : memref<10240x128xf32, #tpu.memory_space<vmem_shared>>)
      tpu.yield
    }) : () -> ()
    %barrier3A_101 = arith.constant 0 : index
    tpu.barrier barrier_id(%barrier3A_101)
    %mul3A_102 = arith.constant 640 : i32
    %mul3A_103 = arith.muli %arg1, %mul3A_102 : i32
    %mul3A_104 = arith.constant 640 : i32
    %mul3A_105 = arith.muli %arg1, %mul3A_104 : i32
    "tpu.region"() ({
      %run_scoped3A_106 = tpu.sem_alloc : memref<!tpu.dma_semaphore, #tpu.memory_space<semaphore_mem>>
      %dma_start3A_107 = arith.constant 0 : i32
      %dma_start3A_108 = tpu.memref_slice %arg6[%arg0, %mul3A_105, %dma_start3A_107] : memref<2x10240x128xf32, #tpu.memory_space<hbm>> -> memref<1x640x128xf32, #tpu.memory_space<hbm>>
      %dma_start3A_109 = tpu.memref_squeeze %dma_start3A_108 : memref<1x640x128xf32, #tpu.memory_space<hbm>> -> memref<640x128xf32, #tpu.memory_space<hbm>>
      %dma_start3A_110 = arith.constant 0 : i32
      %dma_start3A_111 = tpu.memref_slice %arg11[%mul3A_103, %dma_start3A_110] : memref<10240x128xf32, #tpu.memory_space<vmem_shared>> -> memref<640x128xf32, #tpu.memory_space<vmem_shared>>
      tpu.enqueue_dma source(%dma_start3A_111 : memref<640x128xf32, #tpu.memory_space<vmem_shared>>) target(%dma_start3A_109 : memref<640x128xf32, #tpu.memory_space<hbm>>) target_semaphore(%run_scoped3A_106 : memref<!tpu.dma_semaphore, #tpu.memory_space<semaphore_mem>>)
      %dma_wait3A_112 = arith.constant 0 : i32
      %dma_wait3A_113 = tpu.memref_slice %arg6[%arg0, %mul3A_105, %dma_wait3A_112] : memref<2x10240x128xf32, #tpu.memory_space<hbm>> -> memref<1x640x128xf32, #tpu.memory_space<hbm>>
      %dma_wait3A_114 = tpu.memref_squeeze %dma_wait3A_113 : memref<1x640x128xf32, #tpu.memory_space<hbm>> -> memref<640x128xf32, #tpu.memory_space<hbm>>
      %dma_wait3A_115 = arith.constant 0 : i32
      %dma_wait3A_116 = tpu.memref_slice %arg11[%mul3A_103, %dma_wait3A_115] : memref<10240x128xf32, #tpu.memory_space<vmem_shared>> -> memref<640x128xf32, #tpu.memory_space<vmem_shared>>
      tpu.wait_dma2 semaphore(%run_scoped3A_106 : memref<!tpu.dma_semaphore, #tpu.memory_space<semaphore_mem>>) src(%dma_wait3A_116 : memref<640x128xf32, #tpu.memory_space<vmem_shared>>) dst(%dma_wait3A_114 : memref<640x128xf32, #tpu.memory_space<hbm>>)
      tpu.yield
    }) : () -> ()
    return
  }
}

module attributes {stable_mosaic.version = 14 : i64} {
  func.func @_lin1_body(%arg0: i32, %arg1: memref<5120xf32, #tpu.memory_space<vmem>>, %arg2: memref<5120x128xf32, #tpu.memory_space<vmem>>, %arg3: memref<128x128xf32, #tpu.memory_space<vmem>>, %arg4: memref<5120x128xf32, #tpu.memory_space<vmem>>) attributes {dimension_semantics = [#tpu.dimension_semantics<arbitrary>], iteration_bounds = array<i64: 2>, scalar_prefetch = 0 : i64, scratch_operands = 0 : i64, tpu.core_type = #tpu.core_type<tc>, window_params = [{transform_indices = @transform_0, window_bounds = array<i64: 5120>}, {transform_indices = @transform_1, window_bounds = array<i64: 5120, 128>}, {pipeline_mode = #tpu.pipeline_mode<synchronous>, transform_indices = @transform_2, window_bounds = array<i64: 128, 128>}, {transform_indices = @transform_3, window_bounds = array<i64: 5120, 128>}]} {
    %get3A = arith.constant 0 : index
    %get3A_0 = vector.load %arg1[%get3A] : memref<5120xf32, #tpu.memory_space<vmem>>, vector<5120xf32>
    %reshape3A = vector.shape_cast %get3A_0 : vector<5120xf32> to vector<5120x1xf32>
    %rsqrt3A = math.rsqrt %reshape3A : vector<5120x1xf32>
    %get3A_1 = arith.constant 0 : index
    %get3A_2 = arith.constant 0 : index
    %get3A_3 = vector.load %arg2[%get3A_1, %get3A_2] : memref<5120x128xf32, #tpu.memory_space<vmem>>, vector<5120x128xf32>
    %get3A_4 = arith.constant 0 : index
    %get3A_5 = arith.constant 0 : index
    %get3A_6 = vector.load %arg3[%get3A_4, %get3A_5] : memref<128x128xf32, #tpu.memory_space<vmem>>, vector<128x128xf32>
    %dot_general3A = arith.constant dense<0.000000e+00> : vector<5120x128xf32>
    %dot_general3A_7 = tpu.matmul %get3A_3, %get3A_6, %dot_general3A {dimension_numbers = #tpu.dot_dimension_numbers<[1], [0], [0], [1], [0, 0, 1, 1], [], []>, transpose_lhs_hint = false} : vector<5120x128xf32>, vector<128x128xf32>, vector<5120x128xf32> -> vector<5120x128xf32>
    %mul3A = vector.broadcast %rsqrt3A : vector<5120x1xf32> to vector<5120x128xf32>
    %mul3A_8 = arith.mulf %dot_general3A_7, %mul3A : vector<5120x128xf32>
    %swap3A = arith.constant 0 : index
    %swap3A_9 = arith.constant 0 : index
    %swap3A_10 = vector.load %arg4[%swap3A, %swap3A_9] : memref<5120x128xf32, #tpu.memory_space<vmem>>, vector<5120x128xf32>
    tpu.vector_store %arg4[%swap3A, %swap3A_9], %mul3A_8 {strides = array<i32>} : memref<5120x128xf32, #tpu.memory_space<vmem>>, vector<5120x128xf32>,
    return
  }
  func.func @transform_0(%arg0: i32) -> i32 {
    %c0_i32 = arith.constant 0 : i32
    return %arg0 : i32
  }
  func.func @transform_1(%arg0: i32) -> (i32, i32) {
    %c0_i32 = arith.constant 0 : i32
    %c0_i32_0 = arith.constant 0 : i32
    return %arg0, %c0_i32 : i32, i32
  }
  func.func @transform_2(%arg0: i32) -> (i32, i32) {
    %c0_i32 = arith.constant 0 : i32
    %c0_i32_0 = arith.constant 0 : i32
    %c0_i32_1 = arith.constant 0 : i32
    return %c0_i32, %c0_i32_0 : i32, i32
  }
  func.func @transform_3(%arg0: i32) -> (i32, i32) {
    %c0_i32 = arith.constant 0 : i32
    %c0_i32_0 = arith.constant 0 : i32
    return %arg0, %c0_i32 : i32, i32
  }
}

module attributes {stable_mosaic.version = 14 : i64} {
  func.func @_mid_body(%arg0: i32, %arg1: memref<5120xf32, #tpu.memory_space<vmem>>, %arg2: memref<2x5120x128xf32, #tpu.memory_space<vmem>>, %arg3: memref<5120x128xf32, #tpu.memory_space<vmem>>, %arg4: memref<1x128xf32, #tpu.memory_space<vmem>>, %arg5: memref<128x128xf32, #tpu.memory_space<vmem>>, %arg6: memref<5120x128xf32, #tpu.memory_space<vmem>>) attributes {dimension_semantics = [#tpu.dimension_semantics<arbitrary>], iteration_bounds = array<i64: 2>, scalar_prefetch = 0 : i64, scratch_operands = 0 : i64, tpu.core_type = #tpu.core_type<tc>, window_params = [{transform_indices = @transform_0, window_bounds = array<i64: 5120>}, {transform_indices = @transform_1, window_bounds = array<i64: 2, 5120, 128>}, {transform_indices = @transform_2, window_bounds = array<i64: 5120, 128>}, {pipeline_mode = #tpu.pipeline_mode<synchronous>, transform_indices = @transform_3, window_bounds = array<i64: 1, 128>}, {pipeline_mode = #tpu.pipeline_mode<synchronous>, transform_indices = @transform_4, window_bounds = array<i64: 128, 128>}, {transform_indices = @transform_5, window_bounds = array<i64: 5120, 128>}]} {
    %get3A = arith.constant 0 : index
    %get3A_0 = vector.load %arg1[%get3A] : memref<5120xf32, #tpu.memory_space<vmem>>, vector<5120xf32>
    %reshape3A = vector.shape_cast %get3A_0 : vector<5120xf32> to vector<5120x1xf32>
    %rsqrt3A = math.rsqrt %reshape3A : vector<5120x1xf32>
    %get3A_1 = arith.constant 0 : index
    %get3A_2 = arith.constant 0 : index
    %get3A_3 = arith.constant 0 : index
    %get3A_4 = vector.load %arg2[%get3A_1, %get3A_2, %get3A_3] : memref<2x5120x128xf32, #tpu.memory_space<vmem>>, vector<1x5120x128xf32>
    %get3A_5 = vector.shape_cast %get3A_4 : vector<1x5120x128xf32> to vector<5120x128xf32>
    %get3A_6 = arith.constant 1 : index
    %get3A_7 = arith.constant 0 : index
    %get3A_8 = arith.constant 0 : index
    %get3A_9 = vector.load %arg2[%get3A_6, %get3A_7, %get3A_8] : memref<2x5120x128xf32, #tpu.memory_space<vmem>>, vector<1x5120x128xf32>
    %get3A_10 = vector.shape_cast %get3A_9 : vector<1x5120x128xf32> to vector<5120x128xf32>
    %add3A = arith.addf %get3A_5, %get3A_10 : vector<5120x128xf32>
    %get3A_11 = arith.constant 0 : index
    %get3A_12 = arith.constant 0 : index
    %get3A_13 = vector.load %arg3[%get3A_11, %get3A_12] : memref<5120x128xf32, #tpu.memory_space<vmem>>, vector<5120x128xf32>
    %add3A_14 = arith.addf %add3A, %get3A_13 : vector<5120x128xf32>
    %mul3A = vector.broadcast %rsqrt3A : vector<5120x1xf32> to vector<5120x128xf32>
    %mul3A_15 = arith.mulf %add3A_14, %mul3A : vector<5120x128xf32>
    %get3A_16 = arith.constant 0 : index
    %get3A_17 = arith.constant 0 : index
    %get3A_18 = vector.load %arg4[%get3A_16, %get3A_17] : memref<1x128xf32, #tpu.memory_space<vmem>>, vector<1x128xf32>
    %add3A_19 = vector.broadcast %get3A_18 : vector<1x128xf32> to vector<5120x128xf32>
    %add3A_20 = arith.addf %mul3A_15, %add3A_19 : vector<5120x128xf32>
    %max3A = arith.constant 0.000000e+00 : f32
    %max3A_21 = vector.broadcast %max3A : f32 to vector<5120x128xf32>
    %max3A_22 = arith.maximumf %add3A_20, %max3A_21 : vector<5120x128xf32>
    %get3A_23 = arith.constant 0 : index
    %get3A_24 = arith.constant 0 : index
    %get3A_25 = vector.load %arg5[%get3A_23, %get3A_24] : memref<128x128xf32, #tpu.memory_space<vmem>>, vector<128x128xf32>
    %dot_general3A = arith.constant dense<0.000000e+00> : vector<5120x128xf32>
    %dot_general3A_26 = tpu.matmul %max3A_22, %get3A_25, %dot_general3A {dimension_numbers = #tpu.dot_dimension_numbers<[1], [0], [0], [1], [0, 0, 1, 1], [], []>, transpose_lhs_hint = false} : vector<5120x128xf32>, vector<128x128xf32>, vector<5120x128xf32> -> vector<5120x128xf32>
    %mul3A_27 = vector.broadcast %rsqrt3A : vector<5120x1xf32> to vector<5120x128xf32>
    %mul3A_28 = arith.mulf %dot_general3A_26, %mul3A_27 : vector<5120x128xf32>
    %swap3A = arith.constant 0 : index
    %swap3A_29 = arith.constant 0 : index
    %swap3A_30 = vector.load %arg6[%swap3A, %swap3A_29] : memref<5120x128xf32, #tpu.memory_space<vmem>>, vector<5120x128xf32>
    tpu.vector_store %arg6[%swap3A, %swap3A_29], %mul3A_28 {strides = array<i32>} : memref<5120x128xf32, #tpu.memory_space<vmem>>, vector<5120x128xf32>,
    return
  }
  func.func @transform_0(%arg0: i32) -> i32 {
    %c0_i32 = arith.constant 0 : i32
    return %arg0 : i32
  }
  func.func @transform_1(%arg0: i32) -> (i32, i32, i32) {
    %c0_i32 = arith.constant 0 : i32
    %c0_i32_0 = arith.constant 0 : i32
    %c0_i32_1 = arith.constant 0 : i32
    return %c0_i32, %arg0, %c0_i32_0 : i32, i32, i32
  }
  func.func @transform_2(%arg0: i32) -> (i32, i32) {
    %c0_i32 = arith.constant 0 : i32
    %c0_i32_0 = arith.constant 0 : i32
    return %arg0, %c0_i32 : i32, i32
  }
  func.func @transform_3(%arg0: i32) -> (i32, i32) {
    %c0_i32 = arith.constant 0 : i32
    %c0_i32_0 = arith.constant 0 : i32
    %c0_i32_1 = arith.constant 0 : i32
    return %c0_i32, %c0_i32_0 : i32, i32
  }
  func.func @transform_4(%arg0: i32) -> (i32, i32) {
    %c0_i32 = arith.constant 0 : i32
    %c0_i32_0 = arith.constant 0 : i32
    %c0_i32_1 = arith.constant 0 : i32
    return %c0_i32, %c0_i32_0 : i32, i32
  }
  func.func @transform_5(%arg0: i32) -> (i32, i32) {
    %c0_i32 = arith.constant 0 : i32
    %c0_i32_0 = arith.constant 0 : i32
    return %arg0, %c0_i32 : i32, i32
  }
}

module attributes {stable_mosaic.version = 14 : i64} {
  func.func @_out_body(%arg0: i32, %arg1: memref<5120xf32, #tpu.memory_space<vmem>>, %arg2: memref<2x5120x128xf32, #tpu.memory_space<vmem>>, %arg3: memref<5120x128xf32, #tpu.memory_space<vmem>>, %arg4: memref<1x128xf32, #tpu.memory_space<vmem>>, %arg5: memref<5120x128xf32, #tpu.memory_space<vmem>>) attributes {dimension_semantics = [#tpu.dimension_semantics<arbitrary>], iteration_bounds = array<i64: 2>, scalar_prefetch = 0 : i64, scratch_operands = 0 : i64, tpu.core_type = #tpu.core_type<tc>, window_params = [{transform_indices = @transform_0, window_bounds = array<i64: 5120>}, {transform_indices = @transform_1, window_bounds = array<i64: 2, 5120, 128>}, {transform_indices = @transform_2, window_bounds = array<i64: 5120, 128>}, {pipeline_mode = #tpu.pipeline_mode<synchronous>, transform_indices = @transform_3, window_bounds = array<i64: 1, 128>}, {transform_indices = @transform_4, window_bounds = array<i64: 5120, 128>}]} {
    %get3A = arith.constant 0 : index
    %get3A_0 = vector.load %arg1[%get3A] : memref<5120xf32, #tpu.memory_space<vmem>>, vector<5120xf32>
    %reshape3A = vector.shape_cast %get3A_0 : vector<5120xf32> to vector<5120x1xf32>
    %rsqrt3A = math.rsqrt %reshape3A : vector<5120x1xf32>
    %get3A_1 = arith.constant 0 : index
    %get3A_2 = arith.constant 0 : index
    %get3A_3 = arith.constant 0 : index
    %get3A_4 = vector.load %arg2[%get3A_1, %get3A_2, %get3A_3] : memref<2x5120x128xf32, #tpu.memory_space<vmem>>, vector<1x5120x128xf32>
    %get3A_5 = vector.shape_cast %get3A_4 : vector<1x5120x128xf32> to vector<5120x128xf32>
    %get3A_6 = arith.constant 1 : index
    %get3A_7 = arith.constant 0 : index
    %get3A_8 = arith.constant 0 : index
    %get3A_9 = vector.load %arg2[%get3A_6, %get3A_7, %get3A_8] : memref<2x5120x128xf32, #tpu.memory_space<vmem>>, vector<1x5120x128xf32>
    %get3A_10 = vector.shape_cast %get3A_9 : vector<1x5120x128xf32> to vector<5120x128xf32>
    %add3A = arith.addf %get3A_5, %get3A_10 : vector<5120x128xf32>
    %get3A_11 = arith.constant 0 : index
    %get3A_12 = arith.constant 0 : index
    %get3A_13 = vector.load %arg3[%get3A_11, %get3A_12] : memref<5120x128xf32, #tpu.memory_space<vmem>>, vector<5120x128xf32>
    %add3A_14 = arith.addf %add3A, %get3A_13 : vector<5120x128xf32>
    %mul3A = vector.broadcast %rsqrt3A : vector<5120x1xf32> to vector<5120x128xf32>
    %mul3A_15 = arith.mulf %add3A_14, %mul3A : vector<5120x128xf32>
    %get3A_16 = arith.constant 0 : index
    %get3A_17 = arith.constant 0 : index
    %get3A_18 = vector.load %arg4[%get3A_16, %get3A_17] : memref<1x128xf32, #tpu.memory_space<vmem>>, vector<1x128xf32>
    %add3A_19 = vector.broadcast %get3A_18 : vector<1x128xf32> to vector<5120x128xf32>
    %add3A_20 = arith.addf %mul3A_15, %add3A_19 : vector<5120x128xf32>
    %swap3A = arith.constant 0 : index
    %swap3A_21 = arith.constant 0 : index
    %swap3A_22 = vector.load %arg5[%swap3A, %swap3A_21] : memref<5120x128xf32, #tpu.memory_space<vmem>>, vector<5120x128xf32>
    tpu.vector_store %arg5[%swap3A, %swap3A_21], %add3A_20 {strides = array<i32>} : memref<5120x128xf32, #tpu.memory_space<vmem>>, vector<5120x128xf32>,
    return
  }
  func.func @transform_0(%arg0: i32) -> i32 {
    %c0_i32 = arith.constant 0 : i32
    return %arg0 : i32
  }
  func.func @transform_1(%arg0: i32) -> (i32, i32, i32) {
    %c0_i32 = arith.constant 0 : i32
    %c0_i32_0 = arith.constant 0 : i32
    %c0_i32_1 = arith.constant 0 : i32
    return %c0_i32, %arg0, %c0_i32_0 : i32, i32, i32
  }
  func.func @transform_2(%arg0: i32) -> (i32, i32) {
    %c0_i32 = arith.constant 0 : i32
    %c0_i32_0 = arith.constant 0 : i32
    return %arg0, %c0_i32 : i32, i32
  }
  func.func @transform_3(%arg0: i32) -> (i32, i32) {
    %c0_i32 = arith.constant 0 : i32
    %c0_i32_0 = arith.constant 0 : i32
    %c0_i32_1 = arith.constant 0 : i32
    return %c0_i32, %c0_i32_0 : i32, i32
  }
  func.func @transform_4(%arg0: i32) -> (i32, i32) {
    %c0_i32 = arith.constant 0 : i32
    %c0_i32_0 = arith.constant 0 : i32
    return %arg0, %c0_i32 : i32, i32
  }
}

</mosaic_0001>

<sc_bundles>
// kernel: kernel.11.cloned.1.call-start
scs
__scs_entry_jumppad:
0x0: {  	(pc) =	sbr.rel $0x88, $3  }
0x1: {  	(tag) =	ssettag $0x0;
	lr =	simm.s32 $0x1  }
0x2: {  	[smem:$0x3F9B] =	sst lr;
	_ =	strace $0xD0000000  }
0x3: {  	_ = 	snop  }
0x4: {  	_ = 	snop  }
0x5: {  	_ = 	snop  }
0x6: {  	_ = 	snop  }
0x7: {  	_ = 	snop  }
__scs_overlays_trampoline_lowered:
0x8: {  	[smem:$0x3FAA] =	sst s0  }
0x9: {  	[smem:$0x3FAB] =	sst s1  }
0xa: {  	[smem:$0x3FAC] =	sst s2  }
0xb: {  	[smem:$0x3FAD] =	sst s3  }
0xc: {  	[smem:$0x3FAE] =	sst s4  }
0xd: {  	[smem:$0x3FAF] =	sst s5  }
0xe: {  	[smem:$0x3FB0] =	sst s6  }
0xf: {  	[smem:$0x3FB1] =	sst s7  }
0x10: {  	[smem:$0x3FB2] =	sst s8  }
0x11: {  	[smem:$0x3FB3] =	sst s9;
	s0 =	simm.s32 @!p0 $0x0  }
0x12: {  	s1 =	sld [smem:$0x3F99];
	s0 =	simm.s32 @p0 $0x1  }
0x13: {  	[smem:$0x3FB4] =	sst s0;
	s0 =	simm.s32 @!p1 $0x0  }
0x14: {  	s2 =	sld [smem:$0x3F98];
	s0 =	simm.s32 @p1 $0x1  }
0x15: {  	[smem:$0x3FB5] =	sst s0;
	s0 =	simm.s32 @!p2 $0x0  }
0x16: {  	s3 =	sld [smem:$0x3FDB];
	s0 =	simm.s32 @p2 $0x1  }
0x17: {  	s4 =	simm.s32 $0x1BF5;
	[smem:$0x3FB7] =	sst s0  }
0x18: {  	s0 =	sld [smem:$0x3F9A];
	_ =	swait.ge [sflag:s4], $0x0  }
0x19: {  	s7 =	sld [smem:$0x3F9B]  }
0x1a: {  	s8 =	sadd.s32 $0xFFFFE003, lr  }
0x1b: {  	s9 =	sadd.s32 $0xFFFFFEF7, lr;
	s5 =	simm.s32 $0xFFFFFFFF;
	p2 =	slt.u32 s8, $0xFFFFF086  }
0x1c: {  	p1 =	slt.u32 s9, $0xF7A;
	s5 =	simm.s32 @!p2 $0x0  }
0x1d: {  	s5 =	simm.s32 @p1 $0x1;
	p0 =	seq.s32 s7, s2  }
0x1e: {  	s7 =	smul.u32 @!p0 $0xF7A, s2;
	p2 =	seq.s32 @!p0 s5, $0x0  }
0x1f: {  	s9 =	smul.u32 $0xF7A, s1;
	s8 =	simm.s32 @!p0 $0x1BF5;
	p2 =	por !p2, p0  }
0x20: {  	[sflag:s8] =	ssyncset.s32 @!p0 $0xFFFFF086;
	s6 =	sadd.s32 @!p0 s3, s7;
	s7 =	simm.s32 @!p0 $0x108  }
0x21: {  	s3 =	sadd.s32 s3, s9;
	s6 =	sadd.s32 @!p0 $0x88, s6;
	s7 =	simm.s32 @p2 $0x1082  }
0x22: {  	[simem:s7], [sflag:s8] =	dma.local @!p0 [hbm:s6], $0xF7A  }
0x23: {  	s9 =	sor.u32 $0xD0000000, s2;
	s6 =	simm.s32 $0x108;
	_ =	swait.ge @!p0 [sflag:s8], $0x0  }
0x24: {  	s3 =	sadd.s32 $0x88, s3;
	s6 =	simm.s32 @!p1 $0x1082;
	[sflag:s4] =	ssyncset.s32 $0xFFFFF086  }
0x25: {  	[simem:s6], [sflag:s4] =	dma.local [hbm:s3], $0xF7A  }
0x26: {  	[smem:$0x3F9B] =	sst s1;
	(tag) =	ssettag s2;
	_ =	strace s9  }
0x27: {  	s1 =	sld [smem:$0x3FAB]  }
0x28: {  	s2 =	sld [smem:$0x3FAC]  }
0x29: {  	s4 =	sld [smem:$0x3FAE]  }
0x2a: {  	p0 =	seq.s32 s5, $0x0;
	s5 =	sld [smem:$0x3FAF]  }
0x2b: {  	s6 =	sld [smem:$0x3FB0]  }
0x2c: {  	s7 =	sld [smem:$0x3FB1]  }
0x2d: {  	s3 =	simm.s32 $0x108;
	s8 =	sld [smem:$0x3FB2]  }
0x2e: {  	s3 =	simm.s32 @!p0 $0x1082;
	s9 =	sld [smem:$0x3FB3]  }
0x2f: {  	lr =	sadd.s32 s0, s3;
	s0 =	sld [smem:$0x3FAA]  }
0x30: {  	s3 =	sld [smem:$0x3FAD]  }
0x31: {  	[smem:$0x3FB6] =	sst s10  }
0x32: {  	s10 =	sld [smem:$0x3FB4];
	_ =	sdelay $0x3  }
0x33: {  	p0 =	seq.s32 s10, $0x1;
	s10 =	sld [smem:$0x3FB6];
	_ =	sdelay $0x3  }
0x34: {  	[smem:$0x3FB6] =	sst s10  }
0x35: {  	s10 =	sld [smem:$0x3FB5];
	_ =	sdelay $0x3  }
0x36: {  	p1 =	seq.s32 s10, $0x1;
	s10 =	sld [smem:$0x3FB6];
	_ =	sdelay $0x3  }
0x37: {  	[smem:$0x3FB6] =	sst s10  }
0x38: {  	s10 =	sld [smem:$0x3FB7]  }
0x39: {  	_ = 	snop;
	(pc) =	sbr.ind lr, $3  }
0x3a: {  	_ = 	snop  }
0x3b: {  	_ = 	snop  }
0x3c: {  	p2 =	seq.s32 s10, $0x1;
	s10 =	sld [smem:$0x3FB6]  }
0x3d: {  	_ =	shalt  }
0x3e: {  	_ =	shalt  }
0x3f: {  	_ =	shalt  }
0x40: {  	_ =	shalt  }
0x41: {  	_ =	shalt  }
0x42: {  	_ =	shalt  }
0x43: {  	_ =	shalt  }
0x44: {  	_ =	shalt  }
0x45: {  	_ =	shalt  }
0x46: {  	_ =	shalt  }
0x47: {  	_ =	shalt  }
0x48: {  	_ =	shalt  }
0x49: {  	_ =	shalt  }
0x4a: {  	_ =	shalt  }
0x4b: {  	_ =	shalt  }
0x4c: {  	_ =	shalt  }
0x4d: {  	_ =	shalt  }
0x4e: {  	_ =	shalt  }
0x4f: {  	_ =	shalt  }
0x50: {  	_ =	shalt  }
0x51: {  	_ =	shalt  }
0x52: {  	_ =	shalt  }
0x53: {  	_ =	shalt  }
0x54: {  	_ =	shalt  }
0x55: {  	_ =	shalt  }
0x56: {  	_ =	shalt  }
0x57: {  	_ =	shalt  }
0x58: {  	_ =	shalt  }
0x59: {  	_ =	shalt  }
0x5a: {  	_ =	shalt  }
0x5b: {  	_ =	shalt  }
0x5c: {  	_ =	shalt  }
0x5d: {  	_ =	shalt  }
0x5e: {  	_ =	shalt  }
0x5f: {  	_ =	shalt  }
0x60: {  	_ =	shalt  }
0x61: {  	_ =	shalt  }
0x62: {  	_ =	shalt  }
0x63: {  	_ =	shalt  }
0x64: {  	_ =	shalt  }
0x65: {  	_ =	shalt  }
0x66: {  	_ =	shalt  }
0x67: {  	_ =	shalt  }
0x68: {  	_ =	shalt  }
0x69: {  	_ =	shalt  }
0x6a: {  	_ =	shalt  }
0x6b: {  	_ =	shalt  }
0x6c: {  	_ =	shalt  }
0x6d: {  	_ =	shalt  }
0x6e: {  	_ =	shalt  }
0x6f: {  	_ =	shalt  }
0x70: {  	_ =	shalt  }
0x71: {  	_ =	shalt  }
0x72: {  	_ =	shalt  }
0x73: {  	_ =	shalt  }
0x74: {  	_ =	shalt  }
0x75: {  	_ =	shalt  }
0x76: {  	_ =	shalt  }
0x77: {  	_ =	shalt  }
0x78: {  	_ =	shalt  }
0x79: {  	_ =	shalt  }
0x7a: {  	_ =	shalt  }
0x7b: {  	_ =	shalt  }
0x7c: {  	_ =	shalt  }
0x7d: {  	_ =	shalt  }
0x7e: {  	_ =	shalt  }
0x7f: {  	_ =	shalt  }
0x80: {  	_ =	shalt  }
0x81: {  	_ =	shalt  }
0x82: {  	_ =	shalt  }
0x83: {  	_ =	shalt  }
0x84: {  	_ =	shalt  }
0x85: {  	_ =	shalt  }
0x86: {  	_ =	shalt  }
0x87: {  	_ =	shalt  }
.Lfunc_end0:
.L_simem_size_0:
called_computation.1_lowered:
.L_overlay_start_0:
0x88: {  	s2 =	sld [smem:$0x3FD9]  }
0x89: {  	s3 =	sld [smem:$0x3FFE];
	_ =	sdelay $0x1  }
0x8a: {  	s1 =	srdreg.scid  }
0x8b: {  	s0 =	sand.u32 $0x1, s1  }
0x8c: {  	s17 =	sshll.u32 s0, $0xA;
	s2 =	sadd.s32 s3, s2  }
0x8d: {  	s2 =	sadd.s32 s2, s17  }
0x8e: {  	[smem:$0x3FC2] =	sst s2  }
0x8f: {  	_ = 	snop  }
0x90: {  	s2 =	sld [smem:$0x3FD0];
	(tm) =	ssettm $0x1  }
0x91: {  	s18 =	sld [smem:$0x3FFB];
	_ =	sdelay $0x3  }
0x92: {  	_ =	strace s18  }
0x93: {  	s3 =	sld [smem:$0x3FFC];
	_ =	sdelay $0x3  }
0x94: {  	_ =	strace s3  }
0x95: {  	s3 =	sld [smem:$0x3FFD];
	_ =	sdelay $0x3  }
0x96: {  	_ =	strace s3  }
0x97: {  	_ =	strace $0x8FFFFFFF  }
0x98: {  	s19 =	sld [smem:$0x3FDB];
	_ =	sdelay $0x1  }
0x99: {  	s4 =	simm.s32 $_scs_section_size  }
0x9a: {  	s5 =	simm.s32 $_size__tile_overlayer_lowered;
	s6 =	simm.s32 $_tile_overlayer_lowered  }
0x9b: {  	s22 =	simm.s32 $0x1BFF;
	s21 =	sshll.u32 s6, $0x1;
	s3 =	sadd.s32 s4, s19  }
0x9c: {  	s7 =	simm.s32 $0x0;
	s20 =	sshll.u32 s5, $0x1;
	s5 =	sadd.s32 s21, s3  }
0x9d: {  	[timem:s7], [sflag:s22] =	dma.local [hbm:s5], s20  }
0x9e: {  	_ =	swait.ge [sflag:s22], s20  }
0x9f: {  	s4 =	ssub.s32 $0x0, s20;
	[sflag:s22] =	ssyncset.done $0x0  }
0xa0: {  	[sflag:s22] =	ssyncadd.s32 s4;
	_ =	sdelay $0x1  }
0xa1: {  	s23 =	simm.s32 $0x1B8B  }
0xa2: {  	_ =	swait.ge [sflag:s23], $0x1  }
0xa3: {  	[sflag:s23] =	ssyncset.done $0x0  }
0xa4: {  	s25 =	simm.s32 $0x1B8E;
	s24 =	sld [smem:$0x3FFE];
	[sflag:s23] =	ssyncadd.s32 $0xFFFFFFFF  }
0xa5: {  	s26 =	simm.s32 $execute0_lowered;
	[smem:$0x3FD2] =	sst s25  }
0xa6: {  	s5 =	sshll.u32 s26, $0x1;
	_ =	strace $0x80000049;
	[dreg:$0x1] =	wrdreg $0xFFFFFFFF  }
0xa7: {  	s28 =	simm.s32 $_size_execute0_lowered;
	s3 =	sadd.s32 s3, s5;
	[dreg:$0x0] =	wrdreg $0x0  }
0xa8: {  	s5 =	sshll.u32 s28, $0x1;
	[dreg:$0x2] =	wrdreg s3  }
0xa9: {  	[dreg:$0x3] =	wrdreg s5  }
0xaa: {  	[dreg:$0x4] =	wrdreg $0xC0  }
0xab: {  	_ =	task [dreg:s7], $0x5FFFF  }
0xac: {  	[dreg:$0x1] =	wrdreg $0xFFFFFFFF  }
0xad: {  	[dreg:$0x0] =	wrdreg $0x60  }
0xae: {  	[dreg:$0x2] =	wrdreg s24  }
0xaf: {  	[dreg:$0x3] =	wrdreg s2  }
0xb0: {  	[dreg:$0x4] =	wrdreg $0xA8000  }
0xb1: {  	[dreg:$0x5] =	wrdreg $0x9  }
0xb2: {  	_ =	task.clear_ibuf [dreg:s7], $0x6FFFF;
	_ =	strace $0x90000049  }
0xb3: {  	s29 =	simm.s32 $0x9;
	_ =	strace $0x8000004B  }
0xb4: {  	_ =	swait.ge [sflag:s29], $0x1  }
0xb5: {  	[sflag:s29] =	ssyncadd.s32 $0xFFFFFFFF  }
0xb6: {  	_ =	strace $0x9000004B  }
0xb7: {  	_ =	sfence  }
0xb8: {  	s30 =	sld [smem:$0x0];
	_ =	sdelay $0x2  }
0xb9: {  	s31 =	sshll.u32 s1, $0xD;
	s1 =	sshrl.u32 s1, $0x2  }
0xba: {  	s3 =	sand.u32 $0x4000, s31;
	s1 =	sadd.s32 s1, s30  }
0xbb: {  	s0 =	sor.u32 s3, s0;
	s1 =	sshll.u32 s1, $0x11  }
0xbc: {  	s0 =	sor.u32 s1, s0  }
0xbd: {  	s0 =	sadd.s32 $0x8F2B, s0  }
0xbe: {  	[sflag:s0] =	ssyncadd.remote.s32 $0x1  }
0xbf: {  	_ =	sfence.sel $0xFFFF  }
0xc0: {  	[dreg:$0x0] =	wrdreg $0xFFFFFFFF;
	(pc) =	sbr.abs _section_cstart, $3  }
0xc1: {  	[dreg:$0x1] =	wrdreg $0xFFFFFFFF  }
0xc2: {  	_ =	task.clear_ibuf [dreg:s7], $0x2FFFF;
	_ =	strace $0x9FFFFFFF  }
0xc3: {  	(tm) =	ssettm $0x7FFFFFFF  }
tec
execute0_lowered:
.L_overlay_start_1:
0x0: {  	(tag) =	ssettag $0x1  }
0x1: {  	s6 =	rddreg [dreg:$0x0]  }
0x2: {  	s10 =	rddreg [dreg:$0x1]  }
0x3: {  	s1 =	rddreg [dreg:$0x2]  }
0x4: {  	s2 =	srdreg.scid;
	s0 =	rddreg [dreg:$0x3]  }
0x5: {  	s3 =	simm.s32 $0x0;
	s16 =	simm.s32 $0x80;
	s17 =	simm.s32 $0x2800  }
0x6: {  	s18 =	simm.s32 $0x6800;
	s19 =	simm.s32 $0x1;
	s20 =	simm.s32 $0x2  }
0x7: {  	s21 =	simm.s32 $0x1380;
	s22 =	simm.s32 $0x2700;
	s23 =	simm.s32 $0x2780  }
0x8: {  	s7 =	sand.u32 $0x1, s2;
	s2 =	stileid.u32;
	[smem:$0x7FF] =	sst s3  }
0x9: {  	s4 =	sadd.s32 $0x20400, s6;
	s11 =	sadd.s32 $0x16400, s6;
	s8 =	smul.u32 $0x140000, s7  }
0xa: {  	s5 =	sadd.s32 $0x2600, s6;
	s9 =	smul.u32 $0x14000, s2;
	_ =	strace $0x8000004A  }
0xb: {  	s24 =	sshll.u32 s7, $0x4;
	s7 =	ssub.s32 $0x2, s7;
	s12 =	smul.u32 $0x50000, s2  }
0xc: {  	s26 =	sshll.u32 s2, $0x6;
	s13 =	sshrl.u32 s7, $0x1;
	s8 =	sadd.s32 s9, s8  }
0xd: {  	s9 =	sor.u32 s2, s24;
	s13 =	ssub.s32 s7, s13;
	s25 =	sshrl.u32 s12, $0x2  }
0xe: {  	s24 =	simm.s32 $0x0;
	s8 =	sshrl.u32 s8, $0x3;
	s14 =	smul.u32 $0x2800, s9  }
0xf: {  	s28 =	smul.u32 $0x500, s9;
	s30 =	sadd.s32 s25, s1;
	s12 =	smax.u32 s13, $0x1  }
0x10: {  	s15 =	sadd.s32 s8, s6;
	s6 =	sor.u32 $0x1C03, s26;
	s29 =	sshrl.u32 s14, $0x3  }
0x11: {  	s13 =	sshrl.u32 s30, $0x3;
	s7 =	sadd.s32 s11, s28;
	s31 =	sadd.s32 $0x280, s29  }
0x12: {  	s8 =	sadd.s32 s10, s28;
	s14 =	simm.s32 $0x3;
	s9 =	sadd.s32 s11, s31  }
0x13: {  	s10 =	sadd.s32 s10, s31;
	s11 =	sadd.s32 $0x48400, s15;
	s15 =	simm.s32 $0x1400  }
.LBB2_1:
0x14: {  	[spmem:s13], [sflag:s6] =	dma.local [hbm:s5], $0x2800  }
0x15: {  	_ =	swait.ge [sflag:s14], $0x2800  }
0x16: {  	[sflag:s14] =	ssyncset.done $0x0  }
0x17: {  	[sflag:s14] =	ssyncadd.s32 $0xFFFFD800  }
0x18: {  	[bflag:$0x0] =	sbarrier.arrive $0xFFFF  }
0x19: {  	[tilespmem:s3], [sflag:$0x3] =	stream.linear.gather [hbm4b:s7+s3], $0x1400, $0x38;
	[tilespmem:$0x1E800] =	vst v63  }
0x1a: {  	_ =	swait.ge [sflag:s14], $0x1400  }
0x1b: {  	[sflag:s14] =	ssyncset.done $0x0  }
0x1c: {  	[sflag:s14] =	ssyncadd.s32 $0xFFFFEC00  }
0x1d: {  	[tilespmem:s15], [sflag:$0x3] =	stream.linear.gather [hbm4b:s8+s3], $0x1400, $0x38;
	[tilespmem:$0x1E800] =	vst v63  }
0x1e: {  	_ =	swait.ge [sflag:s14], $0x1400  }
0x1f: {  	[sflag:s14] =	ssyncset.done $0x0  }
0x20: {  	[sflag:s14] =	ssyncadd.s32 $0xFFFFEC00  }
0x21: {  	[tilespmem:s17], [sflag:$0x1] =	stream.indirect.gather [hbm4b:s4+s16], $0x80, s3, s16, $0xb8;
	[tilespmem:$0x1E800] =	vst v63  }
0x22: {  	s25 =	simm.s32 $0x80  }
0x23: {  	[tilespmem:s18], [sflag:$0x2] =	stream.indirect.gather [hbm4b:s4+s16], $0x80, s25, s16, $0xb8;
	[tilespmem:$0x1E800] =	vst v63  }
0x24: {  	_ =	swait.ge [sflag:s19], $0x4000  }
0x25: {  	[sflag:s19] =	ssyncset.done $0x0  }
0x26: {  	s29 =	simm.s32 $0x1400;
	[sflag:s19] =	ssyncadd.s32 $0xFFFFC000  }
0x27: {  	[spmem:s1] =	stream.indirect.scatter.add.f32 [tilespmem:s17], [sflag:$0x3], $0x80, s29, s16, $0xb8;
	[tilespmem:$0x1E800] =	vst v63  }
0x28: {  	_ =	swait.ge [sflag:s14], $0x4000  }
0x29: {  	[sflag:s14] =	ssyncset.done $0x0  }
0x2a: {  	s30 =	simm.s32 $0x100;
	[sflag:s14] =	ssyncadd.s32 $0xFFFFC000  }
0x2b: {  	[tilespmem:s17], [sflag:$0x1] =	stream.indirect.gather [hbm4b:s4+s16], $0x80, s30, s16, $0xb8;
	[tilespmem:$0x1E800] =	vst v63  }
0x2c: {  	_ =	swait.ge [sflag:s20], $0x4000  }
0x2d: {  	[sflag:s20] =	ssyncset.done $0x0  }
0x2e: {  	s31 =	simm.s32 $0x1480;
	[sflag:s20] =	ssyncadd.s32 $0xFFFFC000  }
0x2f: {  	[spmem:s1] =	stream.indirect.scatter.add.f32 [tilespmem:s18], [sflag:$0x3], $0x80, s31, s16, $0xb8;
	[tilespmem:$0x1E800] =	vst v63  }
0x30: {  	_ =	swait.ge [sflag:s14], $0x4000  }
0x31: {  	s26 =	simm.s32 $0x800;
	s25 =	simm.s32 $0x100;
	[sflag:s14] =	ssyncset.done $0x0  }
.LBB2_2:
0x32: {  	s28 =	sadd.s32 $0x80, s25  }
0x33: {  	[sflag:s14] =	ssyncadd.s32 $0xFFFFC000;
	s29 =	smov.u32 s26;
	s30 =	sadd.s32 $0x400, s26  }
0x34: {  	[tilespmem:s18], [sflag:$0x2] =	stream.indirect.gather [hbm4b:s4+s16], $0x80, s28, s16, $0xb8;
	[tilespmem:$0x1E800] =	vst v63  }
0x35: {  	p0 =	sne.s32 s26, $0x4800;
	_ =	swait.ge [sflag:s19], $0x4000  }
0x36: {  	[sflag:s19] =	ssyncset.done $0x0  }
0x37: {  	s26 =	sadd.s32 $0x1400, s25;
	[sflag:s19] =	ssyncadd.s32 $0xFFFFC000  }
0x38: {  	[spmem:s1] =	stream.indirect.scatter.add.f32 [tilespmem:s17], [sflag:$0x3], $0x80, s26, s16, $0xb8;
	[tilespmem:$0x1E800] =	vst v63  }
0x39: {  	_ =	swait.ge [sflag:s14], $0x4000  }
0x3a: {  	[sflag:s14] =	ssyncset.done $0x0  }
0x3b: {  	s26 =	sadd.s32 $0x100, s25;
	[sflag:s14] =	ssyncadd.s32 $0xFFFFC000  }
0x3c: {  	[tilespmem:s17], [sflag:$0x1] =	stream.indirect.gather [hbm4b:s4+s16], $0x80, s26, s16, $0xb8;
	[tilespmem:$0x1E800] =	vst v63  }
0x3d: {  	_ =	swait.ge [sflag:s20], $0x4000  }
.Ltmp0:
0x3e: {  	[sflag:s20] =	ssyncset.done $0x0;
	(pc) =	sbr.rel @p0 .LBB2_2-.Ltmp0, $4  }
0x3f: {  	s25 =	sadd.s32 $0x1480, s25;
	[sflag:s20] =	ssyncadd.s32 $0xFFFFC000  }
0x40: {  	[spmem:s1] =	stream.indirect.scatter.add.f32 [tilespmem:s18], [sflag:$0x3], $0x80, s25, s16, $0xb8;
	[tilespmem:$0x1E800] =	vst v63  }
0x41: {  	_ =	swait.ge [sflag:s14], $0x4000  }
0x42: {  	s26 =	smov.u32 s30;
	s25 =	sshra.s32 s29, $0x2;
	[sflag:s14] =	ssyncset.done $0x0  }
0x43: {  	s26 =	sadd.s32 $0x80, s25;
	[sflag:s14] =	ssyncadd.s32 $0xFFFFC000  }
0x44: {  	[tilespmem:s18], [sflag:$0x2] =	stream.indirect.gather [hbm4b:s4+s16], $0x80, s26, s16, $0xb8;
	[tilespmem:$0x1E800] =	vst v63  }
0x45: {  	_ =	swait.ge [sflag:s19], $0x4000  }
0x46: {  	[sflag:s19] =	ssyncset.done $0x0  }
0x47: {  	s29 =	sadd.s32 $0x1400, s25;
	[sflag:s19] =	ssyncadd.s32 $0xFFFFC000  }
0x48: {  	[spmem:s1] =	stream.indirect.scatter.add.f32 [tilespmem:s17], [sflag:$0x3], $0x80, s29, s16, $0xb8;
	[tilespmem:$0x1E800] =	vst v63  }
0x49: {  	_ =	swait.ge [sflag:s14], $0x4000  }
0x4a: {  	[sflag:s14] =	ssyncset.done $0x0  }
0x4b: {  	s30 =	sadd.s32 $0x100, s25;
	[sflag:s14] =	ssyncadd.s32 $0xFFFFC000  }
0x4c: {  	[tilespmem:s17], [sflag:$0x1] =	stream.indirect.gather [hbm4b:s4+s16], $0x80, s30, s16, $0xb8;
	[tilespmem:$0x1E800] =	vst v63  }
0x4d: {  	_ =	swait.ge [sflag:s20], $0x4000  }
0x4e: {  	[sflag:s20] =	ssyncset.done $0x0  }
0x4f: {  	s31 =	sadd.s32 $0x1480, s25;
	[sflag:s20] =	ssyncadd.s32 $0xFFFFC000  }
0x50: {  	[spmem:s1] =	stream.indirect.scatter.add.f32 [tilespmem:s18], [sflag:$0x3], $0x80, s31, s16, $0xb8;
	[tilespmem:$0x1E800] =	vst v63  }
0x51: {  	_ =	swait.ge [sflag:s14], $0x4000  }
0x52: {  	[sflag:s14] =	ssyncset.done $0x0  }
0x53: {  	[sflag:s14] =	ssyncadd.s32 $0xFFFFC000  }
0x54: {  	[tilespmem:s18], [sflag:$0x2] =	stream.indirect.gather [hbm4b:s4+s16], $0x80, s21, s16, $0xb8;
	[tilespmem:$0x1E800] =	vst v63  }
0x55: {  	_ =	swait.ge [sflag:s19], $0x4000  }
0x56: {  	[sflag:s19] =	ssyncset.done $0x0  }
0x57: {  	[sflag:s19] =	ssyncadd.s32 $0xFFFFC000  }
0x58: {  	[spmem:s1] =	stream.indirect.scatter.add.f32 [tilespmem:s17], [sflag:$0x3], $0x80, s22, s16, $0xb8;
	[tilespmem:$0x1E800] =	vst v63  }
0x59: {  	_ =	swait.ge [sflag:s14], $0x4000  }
0x5a: {  	[sflag:s14] =	ssyncset.done $0x0  }
0x5b: {  	[sflag:s14] =	ssyncadd.s32 $0xFFFFC000  }
0x5c: {  	_ =	swait.ge [sflag:s20], $0x4000  }
0x5d: {  	[sflag:s20] =	ssyncset.done $0x0  }
0x5e: {  	[sflag:s20] =	ssyncadd.s32 $0xFFFFC000  }
0x5f: {  	[spmem:s1] =	stream.indirect.scatter.add.f32 [tilespmem:s18], [sflag:$0x3], $0x80, s23, s16, $0xb8;
	[tilespmem:$0x1E800] =	vst v63  }
0x60: {  	_ =	swait.ge [sflag:s14], $0x4000  }
0x61: {  	[sflag:s14] =	ssyncset.done $0x0  }
0x62: {  	s26 =	simm.s32 $0x0;
	[sflag:s14] =	ssyncadd.s32 $0xFFFFC000  }
0x63: {  	[tilespmem:s26], [sflag:$0x3] =	stream.linear.gather [hbm4b:s9+s26], $0x1400, $0x38;
	[tilespmem:$0x1E800] =	vst v63  }
0x64: {  	_ =	swait.ge [sflag:s14], $0x1400  }
0x65: {  	[sflag:s14] =	ssyncset.done $0x0  }
0x66: {  	[sflag:s14] =	ssyncadd.s32 $0xFFFFEC00  }
0x67: {  	[tilespmem:s15], [sflag:$0x3] =	stream.linear.gather [hbm4b:s10+s26], $0x1400, $0x38;
	[tilespmem:$0x1E800] =	vst v63  }
0x68: {  	_ =	swait.ge [sflag:s14], $0x1400  }
0x69: {  	[sflag:s14] =	ssyncset.done $0x0  }
0x6a: {  	[sflag:s14] =	ssyncadd.s32 $0xFFFFEC00  }
0x6b: {  	[tilespmem:s17], [sflag:$0x1] =	stream.indirect.gather [hbm4b:s4+s16], $0x80, s26, s16, $0xb8;
	[tilespmem:$0x1E800] =	vst v63  }
0x6c: {  	s28 =	simm.s32 $0x80  }
0x6d: {  	[tilespmem:s18], [sflag:$0x2] =	stream.indirect.gather [hbm4b:s4+s16], $0x80, s28, s16, $0xb8;
	[tilespmem:$0x1E800] =	vst v63  }
0x6e: {  	_ =	swait.ge [sflag:s19], $0x4000  }
0x6f: {  	[sflag:s19] =	ssyncset.done $0x0  }
0x70: {  	s29 =	simm.s32 $0x1400;
	[sflag:s19] =	ssyncadd.s32 $0xFFFFC000  }
0x71: {  	[spmem:s1] =	stream.indirect.scatter.add.f32 [tilespmem:s17], [sflag:$0x3], $0x80, s29, s16, $0xb8;
	[tilespmem:$0x1E800] =	vst v63  }
0x72: {  	_ =	swait.ge [sflag:s14], $0x4000  }
0x73: {  	[sflag:s14] =	ssyncset.done $0x0  }
0x74: {  	s30 =	simm.s32 $0x100;
	[sflag:s14] =	ssyncadd.s32 $0xFFFFC000  }
0x75: {  	[tilespmem:s17], [sflag:$0x1] =	stream.indirect.gather [hbm4b:s4+s16], $0x80, s30, s16, $0xb8;
	[tilespmem:$0x1E800] =	vst v63  }
0x76: {  	_ =	swait.ge [sflag:s20], $0x4000  }
0x77: {  	[sflag:s20] =	ssyncset.done $0x0  }
0x78: {  	s31 =	simm.s32 $0x1480;
	[sflag:s20] =	ssyncadd.s32 $0xFFFFC000  }
0x79: {  	[spmem:s1] =	stream.indirect.scatter.add.f32 [tilespmem:s18], [sflag:$0x3], $0x80, s31, s16, $0xb8;
	[tilespmem:$0x1E800] =	vst v63  }
0x7a: {  	_ =	swait.ge [sflag:s14], $0x4000  }
0x7b: {  	s25 =	simm.s32 $0x100;
	s26 =	simm.s32 $0x800;
	[sflag:s14] =	ssyncset.done $0x0  }
.LBB2_4:
0x7c: {  	s28 =	sadd.s32 $0x80, s25  }
0x7d: {  	[sflag:s14] =	ssyncadd.s32 $0xFFFFC000;
	s29 =	smov.u32 s26;
	s30 =	sadd.s32 $0x400, s26  }
0x7e: {  	[tilespmem:s18], [sflag:$0x2] =	stream.indirect.gather [hbm4b:s4+s16], $0x80, s28, s16, $0xb8;
	[tilespmem:$0x1E800] =	vst v63  }
0x7f: {  	p0 =	sne.s32 s26, $0x4800;
	_ =	swait.ge [sflag:s19], $0x4000  }
0x80: {  	[sflag:s19] =	ssyncset.done $0x0  }
0x81: {  	s26 =	sadd.s32 $0x1400, s25;
	[sflag:s19] =	ssyncadd.s32 $0xFFFFC000  }
0x82: {  	[spmem:s1] =	stream.indirect.scatter.add.f32 [tilespmem:s17], [sflag:$0x3], $0x80, s26, s16, $0xb8;
	[tilespmem:$0x1E800] =	vst v63  }
0x83: {  	_ =	swait.ge [sflag:s14], $0x4000  }
0x84: {  	[sflag:s14] =	ssyncset.done $0x0  }
0x85: {  	s26 =	sadd.s32 $0x100, s25;
	[sflag:s14] =	ssyncadd.s32 $0xFFFFC000  }
0x86: {  	[tilespmem:s17], [sflag:$0x1] =	stream.indirect.gather [hbm4b:s4+s16], $0x80, s26, s16, $0xb8;
	[tilespmem:$0x1E800] =	vst v63  }
0x87: {  	_ =	swait.ge [sflag:s20], $0x4000  }
.Ltmp1:
0x88: {  	[sflag:s20] =	ssyncset.done $0x0;
	(pc) =	sbr.rel @p0 .LBB2_4-.Ltmp1, $4  }
0x89: {  	s25 =	sadd.s32 $0x1480, s25;
	[sflag:s20] =	ssyncadd.s32 $0xFFFFC000  }
0x8a: {  	[spmem:s1] =	stream.indirect.scatter.add.f32 [tilespmem:s18], [sflag:$0x3], $0x80, s25, s16, $0xb8;
	[tilespmem:$0x1E800] =	vst v63  }
0x8b: {  	_ =	swait.ge [sflag:s14], $0x4000  }
0x8c: {  	s26 =	smov.u32 s30;
	s25 =	sshra.s32 s29, $0x2;
	[sflag:s14] =	ssyncset.done $0x0  }
0x8d: {  	s26 =	sadd.s32 $0x80, s25;
	[sflag:s14] =	ssyncadd.s32 $0xFFFFC000  }
0x8e: {  	[tilespmem:s18], [sflag:$0x2] =	stream.indirect.gather [hbm4b:s4+s16], $0x80, s26, s16, $0xb8;
	[tilespmem:$0x1E800] =	vst v63  }
0x8f: {  	_ =	swait.ge [sflag:s19], $0x4000  }
0x90: {  	[sflag:s19] =	ssyncset.done $0x0  }
0x91: {  	s29 =	sadd.s32 $0x1400, s25;
	[sflag:s19] =	ssyncadd.s32 $0xFFFFC000  }
0x92: {  	[spmem:s1] =	stream.indirect.scatter.add.f32 [tilespmem:s17], [sflag:$0x3], $0x80, s29, s16, $0xb8;
	[tilespmem:$0x1E800] =	vst v63  }
0x93: {  	_ =	swait.ge [sflag:s14], $0x4000  }
0x94: {  	[sflag:s14] =	ssyncset.done $0x0  }
0x95: {  	s30 =	sadd.s32 $0x100, s25;
	[sflag:s14] =	ssyncadd.s32 $0xFFFFC000  }
0x96: {  	[tilespmem:s17], [sflag:$0x1] =	stream.indirect.gather [hbm4b:s4+s16], $0x80, s30, s16, $0xb8;
	[tilespmem:$0x1E800] =	vst v63  }
0x97: {  	_ =	swait.ge [sflag:s20], $0x4000  }
0x98: {  	[sflag:s20] =	ssyncset.done $0x0  }
0x99: {  	s31 =	sadd.s32 $0x1480, s25;
	[sflag:s20] =	ssyncadd.s32 $0xFFFFC000  }
0x9a: {  	[spmem:s1] =	stream.indirect.scatter.add.f32 [tilespmem:s18], [sflag:$0x3], $0x80, s31, s16, $0xb8;
	[tilespmem:$0x1E800] =	vst v63  }
0x9b: {  	_ =	swait.ge [sflag:s14], $0x4000  }
0x9c: {  	[sflag:s14] =	ssyncset.done $0x0  }
0x9d: {  	[sflag:s14] =	ssyncadd.s32 $0xFFFFC000  }
0x9e: {  	[tilespmem:s18], [sflag:$0x2] =	stream.indirect.gather [hbm4b:s4+s16], $0x80, s21, s16, $0xb8;
	[tilespmem:$0x1E800] =	vst v63  }
0x9f: {  	_ =	swait.ge [sflag:s19], $0x4000  }
0xa0: {  	[sflag:s19] =	ssyncset.done $0x0  }
0xa1: {  	[sflag:s19] =	ssyncadd.s32 $0xFFFFC000  }
0xa2: {  	[spmem:s1] =	stream.indirect.scatter.add.f32 [tilespmem:s17], [sflag:$0x3], $0x80, s22, s16, $0xb8;
	[tilespmem:$0x1E800] =	vst v63  }
0xa3: {  	_ =	swait.ge [sflag:s14], $0x4000  }
0xa4: {  	[sflag:s14] =	ssyncset.done $0x0  }
0xa5: {  	[sflag:s14] =	ssyncadd.s32 $0xFFFFC000  }
0xa6: {  	_ =	swait.ge [sflag:s20], $0x4000  }
0xa7: {  	[sflag:s20] =	ssyncset.done $0x0  }
0xa8: {  	[sflag:s20] =	ssyncadd.s32 $0xFFFFC000  }
0xa9: {  	[spmem:s1] =	stream.indirect.scatter.add.f32 [tilespmem:s18], [sflag:$0x3], $0x80, s23, s16, $0xb8;
	[tilespmem:$0x1E800] =	vst v63  }
0xaa: {  	_ =	swait.ge [sflag:s14], $0x4000  }
0xab: {  	s24 =	sadd.s32 $0x1, s24;
	[sflag:s14] =	ssyncset.done $0x0  }
0xac: {  	p0 =	sne.s32 s24, s12;
	[sflag:s14] =	ssyncadd.s32 $0xFFFFC000  }
.Ltmp2:
0xad: {  	[bflag:$0x0] =	sbarrier.arrive $0xFFFF;
	(pc) =	sbr.rel @p0 .LBB2_1-.Ltmp2, $4  }
0xae: {  	[hbm:s11], [sflag:s6] =	dma.local [spmem:s13], $0x2800  }
0xaf: {  	_ =	swait.ge [sflag:s14], $0x2800  }
0xb0: {  	[sflag:s14] =	ssyncset.done $0x0  }
0xb1: {  	[sflag:s14] =	ssyncadd.s32 $0xFFFFD800  }
0xb2: {  	_ =	sfence.sel $0x180000  }
0xb3: {  	[bflag:$0x0] =	sbarrier.arrive $0xFFFF  }
0xb4: {  	p0 =	sne.s32 s2, $0x0;
	_ =	strace $0x9000004A  }
0xb5: {  	s0 =	sadd.s32 @!p0 $0x100000, s0;
	[bflag:$0x2] =	sbarrier.arrive $0xFFFF  }
0xb6: {  	[sflag:s0] =	ssyncadd.tile.s32 @!p0 $0x1;
	_ =	shalt  }
.Lfunc_end2:
_tile_overlayer_lowered:
.L_overlay_start_2:
0xb7: {  	(tag) =	ssettag $0x2  }
0xb8: {  	s0 =	rddreg [dreg:$0x0];
	s2 =	stileid.u32  }
0xb9: {  	s1 =	rddreg [dreg:$0x1];
	p0 =	sne.s32 s2, $0x0  }
0xba: {  	s3 =	rddreg [dreg:$0x2];
	[bflag:$0x3] =	sbarrier.arrive $0xFFFF;
	s2 =	simm.s32 @!p0 $0x1C03  }
0xbb: {  	[timem:s3], [sflag:s2] =	dma.local @!p0 [hbm:s0], s1  }
0xbc: {  	s0 =	simm.s32 @!p0 $0x3  }
0xbd: {  	_ =	swait.ge @!p0 [sflag:s0], s1  }
0xbe: {  	s1 =	ssub.s32 @!p0 $0x0, s1;
	[sflag:s0] =	ssyncset.done @!p0 $0x0  }
0xbf: {  	[sflag:s0] =	ssyncadd.s32 @!p0 s1  }
0xc0: {  	[bflag:$0x3] =	sbarrier.arrive $0xFFFF  }
0xc1: {  	_ =	shalt  }

// kernel: kernel.14.cloned.1.call-start
scs
__scs_entry_jumppad:
0x0: {  	(pc) =	sbr.rel $0x88, $3  }
0x1: {  	(tag) =	ssettag $0x0;
	lr =	simm.s32 $0x1  }
0x2: {  	[smem:$0x3F9B] =	sst lr;
	_ =	strace $0xD0000000  }
0x3: {  	_ = 	snop  }
0x4: {  	_ = 	snop  }
0x5: {  	_ = 	snop  }
0x6: {  	_ = 	snop  }
0x7: {  	_ = 	snop  }
__scs_overlays_trampoline_lowered:
0x8: {  	[smem:$0x3FAA] =	sst s0  }
0x9: {  	[smem:$0x3FAB] =	sst s1  }
0xa: {  	[smem:$0x3FAC] =	sst s2  }
0xb: {  	[smem:$0x3FAD] =	sst s3  }
0xc: {  	[smem:$0x3FAE] =	sst s4  }
0xd: {  	[smem:$0x3FAF] =	sst s5  }
0xe: {  	[smem:$0x3FB0] =	sst s6  }
0xf: {  	[smem:$0x3FB1] =	sst s7  }
0x10: {  	[smem:$0x3FB2] =	sst s8  }
0x11: {  	[smem:$0x3FB3] =	sst s9;
	s0 =	simm.s32 @!p0 $0x0  }
0x12: {  	s1 =	sld [smem:$0x3F99];
	s0 =	simm.s32 @p0 $0x1  }
0x13: {  	[smem:$0x3FB4] =	sst s0;
	s0 =	simm.s32 @!p1 $0x0  }
0x14: {  	s2 =	sld [smem:$0x3F98];
	s0 =	simm.s32 @p1 $0x1  }
0x15: {  	[smem:$0x3FB5] =	sst s0;
	s0 =	simm.s32 @!p2 $0x0  }
0x16: {  	s3 =	sld [smem:$0x3FDB];
	s0 =	simm.s32 @p2 $0x1  }
0x17: {  	s4 =	simm.s32 $0x1BF5;
	[smem:$0x3FB7] =	sst s0  }
0x18: {  	s0 =	sld [smem:$0x3F9A];
	_ =	swait.ge [sflag:s4], $0x0  }
0x19: {  	s7 =	sld [smem:$0x3F9B]  }
0x1a: {  	s8 =	sadd.s32 $0xFFFFE003, lr  }
0x1b: {  	s9 =	sadd.s32 $0xFFFFFEF7, lr;
	s5 =	simm.s32 $0xFFFFFFFF;
	p2 =	slt.u32 s8, $0xFFFFF086  }
0x1c: {  	p1 =	slt.u32 s9, $0xF7A;
	s5 =	simm.s32 @!p2 $0x0  }
0x1d: {  	s5 =	simm.s32 @p1 $0x1;
	p0 =	seq.s32 s7, s2  }
0x1e: {  	s7 =	smul.u32 @!p0 $0xF7A, s2;
	p2 =	seq.s32 @!p0 s5, $0x0  }
0x1f: {  	s9 =	smul.u32 $0xF7A, s1;
	s8 =	simm.s32 @!p0 $0x1BF5;
	p2 =	por !p2, p0  }
0x20: {  	[sflag:s8] =	ssyncset.s32 @!p0 $0xFFFFF086;
	s6 =	sadd.s32 @!p0 s3, s7;
	s7 =	simm.s32 @!p0 $0x108  }
0x21: {  	s3 =	sadd.s32 s3, s9;
	s6 =	sadd.s32 @!p0 $0x88, s6;
	s7 =	simm.s32 @p2 $0x1082  }
0x22: {  	[simem:s7], [sflag:s8] =	dma.local @!p0 [hbm:s6], $0xF7A  }
0x23: {  	s9 =	sor.u32 $0xD0000000, s2;
	s6 =	simm.s32 $0x108;
	_ =	swait.ge @!p0 [sflag:s8], $0x0  }
0x24: {  	s3 =	sadd.s32 $0x88, s3;
	s6 =	simm.s32 @!p1 $0x1082;
	[sflag:s4] =	ssyncset.s32 $0xFFFFF086  }
0x25: {  	[simem:s6], [sflag:s4] =	dma.local [hbm:s3], $0xF7A  }
0x26: {  	[smem:$0x3F9B] =	sst s1;
	(tag) =	ssettag s2;
	_ =	strace s9  }
0x27: {  	s1 =	sld [smem:$0x3FAB]  }
0x28: {  	s2 =	sld [smem:$0x3FAC]  }
0x29: {  	s4 =	sld [smem:$0x3FAE]  }
0x2a: {  	p0 =	seq.s32 s5, $0x0;
	s5 =	sld [smem:$0x3FAF]  }
0x2b: {  	s6 =	sld [smem:$0x3FB0]  }
0x2c: {  	s7 =	sld [smem:$0x3FB1]  }
0x2d: {  	s3 =	simm.s32 $0x108;
	s8 =	sld [smem:$0x3FB2]  }
0x2e: {  	s3 =	simm.s32 @!p0 $0x1082;
	s9 =	sld [smem:$0x3FB3]  }
0x2f: {  	lr =	sadd.s32 s0, s3;
	s0 =	sld [smem:$0x3FAA]  }
0x30: {  	s3 =	sld [smem:$0x3FAD]  }
0x31: {  	[smem:$0x3FB6] =	sst s10  }
0x32: {  	s10 =	sld [smem:$0x3FB4];
	_ =	sdelay $0x3  }
0x33: {  	p0 =	seq.s32 s10, $0x1;
	s10 =	sld [smem:$0x3FB6];
	_ =	sdelay $0x3  }
0x34: {  	[smem:$0x3FB6] =	sst s10  }
0x35: {  	s10 =	sld [smem:$0x3FB5];
	_ =	sdelay $0x3  }
0x36: {  	p1 =	seq.s32 s10, $0x1;
	s10 =	sld [smem:$0x3FB6];
	_ =	sdelay $0x3  }
0x37: {  	[smem:$0x3FB6] =	sst s10  }
0x38: {  	s10 =	sld [smem:$0x3FB7]  }
0x39: {  	_ = 	snop;
	(pc) =	sbr.ind lr, $3  }
0x3a: {  	_ = 	snop  }
0x3b: {  	_ = 	snop  }
0x3c: {  	p2 =	seq.s32 s10, $0x1;
	s10 =	sld [smem:$0x3FB6]  }
0x3d: {  	_ =	shalt  }
0x3e: {  	_ =	shalt  }
0x3f: {  	_ =	shalt  }
0x40: {  	_ =	shalt  }
0x41: {  	_ =	shalt  }
0x42: {  	_ =	shalt  }
0x43: {  	_ =	shalt  }
0x44: {  	_ =	shalt  }
0x45: {  	_ =	shalt  }
0x46: {  	_ =	shalt  }
0x47: {  	_ =	shalt  }
0x48: {  	_ =	shalt  }
0x49: {  	_ =	shalt  }
0x4a: {  	_ =	shalt  }
0x4b: {  	_ =	shalt  }
0x4c: {  	_ =	shalt  }
0x4d: {  	_ =	shalt  }
0x4e: {  	_ =	shalt  }
0x4f: {  	_ =	shalt  }
0x50: {  	_ =	shalt  }
0x51: {  	_ =	shalt  }
0x52: {  	_ =	shalt  }
0x53: {  	_ =	shalt  }
0x54: {  	_ =	shalt  }
0x55: {  	_ =	shalt  }
0x56: {  	_ =	shalt  }
0x57: {  	_ =	shalt  }
0x58: {  	_ =	shalt  }
0x59: {  	_ =	shalt  }
0x5a: {  	_ =	shalt  }
0x5b: {  	_ =	shalt  }
0x5c: {  	_ =	shalt  }
0x5d: {  	_ =	shalt  }
0x5e: {  	_ =	shalt  }
0x5f: {  	_ =	shalt  }
0x60: {  	_ =	shalt  }
0x61: {  	_ =	shalt  }
0x62: {  	_ =	shalt  }
0x63: {  	_ =	shalt  }
0x64: {  	_ =	shalt  }
0x65: {  	_ =	shalt  }
0x66: {  	_ =	shalt  }
0x67: {  	_ =	shalt  }
0x68: {  	_ =	shalt  }
0x69: {  	_ =	shalt  }
0x6a: {  	_ =	shalt  }
0x6b: {  	_ =	shalt  }
0x6c: {  	_ =	shalt  }
0x6d: {  	_ =	shalt  }
0x6e: {  	_ =	shalt  }
0x6f: {  	_ =	shalt  }
0x70: {  	_ =	shalt  }
0x71: {  	_ =	shalt  }
0x72: {  	_ =	shalt  }
0x73: {  	_ =	shalt  }
0x74: {  	_ =	shalt  }
0x75: {  	_ =	shalt  }
0x76: {  	_ =	shalt  }
0x77: {  	_ =	shalt  }
0x78: {  	_ =	shalt  }
0x79: {  	_ =	shalt  }
0x7a: {  	_ =	shalt  }
0x7b: {  	_ =	shalt  }
0x7c: {  	_ =	shalt  }
0x7d: {  	_ =	shalt  }
0x7e: {  	_ =	shalt  }
0x7f: {  	_ =	shalt  }
0x80: {  	_ =	shalt  }
0x81: {  	_ =	shalt  }
0x82: {  	_ =	shalt  }
0x83: {  	_ =	shalt  }
0x84: {  	_ =	shalt  }
0x85: {  	_ =	shalt  }
0x86: {  	_ =	shalt  }
0x87: {  	_ =	shalt  }
.Lfunc_end0:
.L_simem_size_0:
called_computation.2_lowered:
.L_overlay_start_0:
0x88: {  	s2 =	sld [smem:$0x3FD9]  }
0x89: {  	s3 =	sld [smem:$0x3FFE];
	_ =	sdelay $0x1  }
0x8a: {  	s1 =	srdreg.scid  }
0x8b: {  	s0 =	sand.u32 $0x1, s1  }
0x8c: {  	s17 =	sshll.u32 s0, $0xA;
	s2 =	sadd.s32 s3, s2  }
0x8d: {  	s2 =	sadd.s32 s2, s17  }
0x8e: {  	[smem:$0x3FC2] =	sst s2  }
0x8f: {  	_ = 	snop  }
0x90: {  	s2 =	sld [smem:$0x3FD0];
	(tm) =	ssettm $0x1  }
0x91: {  	s18 =	sld [smem:$0x3FFB];
	_ =	sdelay $0x3  }
0x92: {  	_ =	strace s18  }
0x93: {  	s3 =	sld [smem:$0x3FFC];
	_ =	sdelay $0x3  }
0x94: {  	_ =	strace s3  }
0x95: {  	s3 =	sld [smem:$0x3FFD];
	_ =	sdelay $0x3  }
0x96: {  	_ =	strace s3  }
0x97: {  	_ =	strace $0x8FFFFFFF  }
0x98: {  	s19 =	sld [smem:$0x3FDB];
	_ =	sdelay $0x1  }
0x99: {  	s4 =	simm.s32 $_scs_section_size  }
0x9a: {  	s5 =	simm.s32 $_size__tile_overlayer_lowered;
	s6 =	simm.s32 $_tile_overlayer_lowered  }
0x9b: {  	s22 =	simm.s32 $0x1BFF;
	s21 =	sshll.u32 s6, $0x1;
	s3 =	sadd.s32 s4, s19  }
0x9c: {  	s7 =	simm.s32 $0x0;
	s20 =	sshll.u32 s5, $0x1;
	s5 =	sadd.s32 s21, s3  }
0x9d: {  	[timem:s7], [sflag:s22] =	dma.local [hbm:s5], s20  }
0x9e: {  	_ =	swait.ge [sflag:s22], s20  }
0x9f: {  	s4 =	ssub.s32 $0x0, s20;
	[sflag:s22] =	ssyncset.done $0x0  }
0xa0: {  	[sflag:s22] =	ssyncadd.s32 s4;
	_ =	sdelay $0x1  }
0xa1: {  	s23 =	simm.s32 $0x1B8B  }
0xa2: {  	_ =	swait.ge [sflag:s23], $0x1  }
0xa3: {  	[sflag:s23] =	ssyncset.done $0x0  }
0xa4: {  	s25 =	simm.s32 $0x1B8E;
	s24 =	sld [smem:$0x3FFE];
	[sflag:s23] =	ssyncadd.s32 $0xFFFFFFFF  }
0xa5: {  	s26 =	simm.s32 $execute0_lowered;
	[smem:$0x3FD2] =	sst s25  }
0xa6: {  	s5 =	sshll.u32 s26, $0x1;
	_ =	strace $0x8000004C;
	[dreg:$0x1] =	wrdreg $0xFFFFFFFF  }
0xa7: {  	s28 =	simm.s32 $_size_execute0_lowered;
	s3 =	sadd.s32 s3, s5;
	[dreg:$0x0] =	wrdreg $0x0  }
0xa8: {  	s5 =	sshll.u32 s28, $0x1;
	[dreg:$0x2] =	wrdreg s3  }
0xa9: {  	[dreg:$0x3] =	wrdreg s5  }
0xaa: {  	[dreg:$0x4] =	wrdreg $0xC0  }
0xab: {  	_ =	task [dreg:s7], $0x5FFFF  }
0xac: {  	[dreg:$0x1] =	wrdreg $0xFFFFFFFF  }
0xad: {  	[dreg:$0x0] =	wrdreg $0x60  }
0xae: {  	[dreg:$0x2] =	wrdreg s24  }
0xaf: {  	[dreg:$0x3] =	wrdreg s2  }
0xb0: {  	[dreg:$0x4] =	wrdreg $0xA8000  }
0xb1: {  	[dreg:$0x5] =	wrdreg $0x9  }
0xb2: {  	_ =	task.clear_ibuf [dreg:s7], $0x6FFFF;
	_ =	strace $0x9000004C  }
0xb3: {  	s29 =	simm.s32 $0x9;
	_ =	strace $0x8000004E  }
0xb4: {  	_ =	swait.ge [sflag:s29], $0x1  }
0xb5: {  	[sflag:s29] =	ssyncadd.s32 $0xFFFFFFFF  }
0xb6: {  	_ =	strace $0x9000004E  }
0xb7: {  	_ =	sfence  }
0xb8: {  	s30 =	sld [smem:$0x0];
	_ =	sdelay $0x2  }
0xb9: {  	s31 =	sshll.u32 s1, $0xD;
	s1 =	sshrl.u32 s1, $0x2  }
0xba: {  	s3 =	sand.u32 $0x4000, s31;
	s1 =	sadd.s32 s1, s30  }
0xbb: {  	s0 =	sor.u32 s3, s0;
	s1 =	sshll.u32 s1, $0x11  }
0xbc: {  	s0 =	sor.u32 s1, s0  }
0xbd: {  	s0 =	sadd.s32 $0x8F2B, s0  }
0xbe: {  	[sflag:s0] =	ssyncadd.remote.s32 $0x1  }
0xbf: {  	_ =	sfence.sel $0xFFFF  }
0xc0: {  	[dreg:$0x0] =	wrdreg $0xFFFFFFFF;
	(pc) =	sbr.abs _section_cstart, $3  }
0xc1: {  	[dreg:$0x1] =	wrdreg $0xFFFFFFFF  }
0xc2: {  	_ =	task.clear_ibuf [dreg:s7], $0x2FFFF;
	_ =	strace $0x9FFFFFFF  }
0xc3: {  	(tm) =	ssettm $0x7FFFFFFF  }
tec
execute0_lowered:
.L_overlay_start_1:
0x0: {  	(tag) =	ssettag $0x1  }
0x1: {  	s6 =	rddreg [dreg:$0x0]  }
0x2: {  	s10 =	rddreg [dreg:$0x1]  }
0x3: {  	s1 =	rddreg [dreg:$0x2]  }
0x4: {  	s2 =	srdreg.scid;
	s0 =	rddreg [dreg:$0x3]  }
0x5: {  	s3 =	simm.s32 $0x0;
	s16 =	simm.s32 $0x80;
	s17 =	simm.s32 $0x2800  }
0x6: {  	s18 =	simm.s32 $0x6800;
	s19 =	simm.s32 $0x1;
	s20 =	simm.s32 $0x2  }
0x7: {  	s21 =	simm.s32 $0x1380;
	s22 =	simm.s32 $0x2700;
	s23 =	simm.s32 $0x2780  }
0x8: {  	s7 =	sand.u32 $0x1, s2;
	s2 =	stileid.u32;
	[smem:$0x7FF] =	sst s3  }
0x9: {  	s4 =	sadd.s32 $0x20400, s6;
	s11 =	sadd.s32 $0x16400, s6;
	s8 =	smul.u32 $0x140000, s7  }
0xa: {  	s5 =	sadd.s32 $0x2600, s6;
	s9 =	smul.u32 $0x14000, s2;
	_ =	strace $0x8000004D  }
0xb: {  	s24 =	sshll.u32 s7, $0x4;
	s7 =	ssub.s32 $0x2, s7;
	s12 =	smul.u32 $0x50000, s2  }
0xc: {  	s26 =	sshll.u32 s2, $0x6;
	s13 =	sshrl.u32 s7, $0x1;
	s8 =	sadd.s32 s9, s8  }
0xd: {  	s9 =	sor.u32 s2, s24;
	s13 =	ssub.s32 s7, s13;
	s25 =	sshrl.u32 s12, $0x2  }
0xe: {  	s24 =	simm.s32 $0x0;
	s8 =	sshrl.u32 s8, $0x3;
	s14 =	smul.u32 $0x2800, s9  }
0xf: {  	s28 =	smul.u32 $0x500, s9;
	s30 =	sadd.s32 s25, s1;
	s12 =	smax.u32 s13, $0x1  }
0x10: {  	s15 =	sadd.s32 s8, s6;
	s6 =	sor.u32 $0x1C03, s26;
	s29 =	sshrl.u32 s14, $0x3  }
0x11: {  	s13 =	sshrl.u32 s30, $0x3;
	s7 =	sadd.s32 s11, s28;
	s31 =	sadd.s32 $0x280, s29  }
0x12: {  	s8 =	sadd.s32 s10, s28;
	s14 =	simm.s32 $0x3;
	s9 =	sadd.s32 s11, s31  }
0x13: {  	s10 =	sadd.s32 s10, s31;
	s11 =	sadd.s32 $0x48400, s15;
	s15 =	simm.s32 $0x1400  }
.LBB2_1:
0x14: {  	[spmem:s13], [sflag:s6] =	dma.local [hbm:s5], $0x2800  }
0x15: {  	_ =	swait.ge [sflag:s14], $0x2800  }
0x16: {  	[sflag:s14] =	ssyncset.done $0x0  }
0x17: {  	[sflag:s14] =	ssyncadd.s32 $0xFFFFD800  }
0x18: {  	[bflag:$0x0] =	sbarrier.arrive $0xFFFF  }
0x19: {  	[tilespmem:s3], [sflag:$0x3] =	stream.linear.gather [hbm4b:s7+s3], $0x1400, $0x38;
	[tilespmem:$0x1E800] =	vst v63  }
0x1a: {  	_ =	swait.ge [sflag:s14], $0x1400  }
0x1b: {  	[sflag:s14] =	ssyncset.done $0x0  }
0x1c: {  	[sflag:s14] =	ssyncadd.s32 $0xFFFFEC00  }
0x1d: {  	[tilespmem:s15], [sflag:$0x3] =	stream.linear.gather [hbm4b:s8+s3], $0x1400, $0x38;
	[tilespmem:$0x1E800] =	vst v63  }
0x1e: {  	_ =	swait.ge [sflag:s14], $0x1400  }
0x1f: {  	[sflag:s14] =	ssyncset.done $0x0  }
0x20: {  	[sflag:s14] =	ssyncadd.s32 $0xFFFFEC00  }
0x21: {  	[tilespmem:s17], [sflag:$0x1] =	stream.indirect.gather [hbm4b:s4+s16], $0x80, s3, s16, $0xb8;
	[tilespmem:$0x1E800] =	vst v63  }
0x22: {  	s25 =	simm.s32 $0x80  }
0x23: {  	[tilespmem:s18], [sflag:$0x2] =	stream.indirect.gather [hbm4b:s4+s16], $0x80, s25, s16, $0xb8;
	[tilespmem:$0x1E800] =	vst v63  }
0x24: {  	_ =	swait.ge [sflag:s19], $0x4000  }
0x25: {  	[sflag:s19] =	ssyncset.done $0x0  }
0x26: {  	s29 =	simm.s32 $0x1400;
	[sflag:s19] =	ssyncadd.s32 $0xFFFFC000  }
0x27: {  	[spmem:s1] =	stream.indirect.scatter.add.f32 [tilespmem:s17], [sflag:$0x3], $0x80, s29, s16, $0xb8;
	[tilespmem:$0x1E800] =	vst v63  }
0x28: {  	_ =	swait.ge [sflag:s14], $0x4000  }
0x29: {  	[sflag:s14] =	ssyncset.done $0x0  }
0x2a: {  	s30 =	simm.s32 $0x100;
	[sflag:s14] =	ssyncadd.s32 $0xFFFFC000  }
0x2b: {  	[tilespmem:s17], [sflag:$0x1] =	stream.indirect.gather [hbm4b:s4+s16], $0x80, s30, s16, $0xb8;
	[tilespmem:$0x1E800] =	vst v63  }
0x2c: {  	_ =	swait.ge [sflag:s20], $0x4000  }
0x2d: {  	[sflag:s20] =	ssyncset.done $0x0  }
0x2e: {  	s31 =	simm.s32 $0x1480;
	[sflag:s20] =	ssyncadd.s32 $0xFFFFC000  }
0x2f: {  	[spmem:s1] =	stream.indirect.scatter.add.f32 [tilespmem:s18], [sflag:$0x3], $0x80, s31, s16, $0xb8;
	[tilespmem:$0x1E800] =	vst v63  }
0x30: {  	_ =	swait.ge [sflag:s14], $0x4000  }
0x31: {  	s26 =	simm.s32 $0x800;
	s25 =	simm.s32 $0x100;
	[sflag:s14] =	ssyncset.done $0x0  }
.LBB2_2:
0x32: {  	s28 =	sadd.s32 $0x80, s25  }
0x33: {  	[sflag:s14] =	ssyncadd.s32 $0xFFFFC000;
	s29 =	smov.u32 s26;
	s30 =	sadd.s32 $0x400, s26  }
0x34: {  	[tilespmem:s18], [sflag:$0x2] =	stream.indirect.gather [hbm4b:s4+s16], $0x80, s28, s16, $0xb8;
	[tilespmem:$0x1E800] =	vst v63  }
0x35: {  	p0 =	sne.s32 s26, $0x4800;
	_ =	swait.ge [sflag:s19], $0x4000  }
0x36: {  	[sflag:s19] =	ssyncset.done $0x0  }
0x37: {  	s26 =	sadd.s32 $0x1400, s25;
	[sflag:s19] =	ssyncadd.s32 $0xFFFFC000  }
0x38: {  	[spmem:s1] =	stream.indirect.scatter.add.f32 [tilespmem:s17], [sflag:$0x3], $0x80, s26, s16, $0xb8;
	[tilespmem:$0x1E800] =	vst v63  }
0x39: {  	_ =	swait.ge [sflag:s14], $0x4000  }
0x3a: {  	[sflag:s14] =	ssyncset.done $0x0  }
0x3b: {  	s26 =	sadd.s32 $0x100, s25;
	[sflag:s14] =	ssyncadd.s32 $0xFFFFC000  }
0x3c: {  	[tilespmem:s17], [sflag:$0x1] =	stream.indirect.gather [hbm4b:s4+s16], $0x80, s26, s16, $0xb8;
	[tilespmem:$0x1E800] =	vst v63  }
0x3d: {  	_ =	swait.ge [sflag:s20], $0x4000  }
.Ltmp0:
0x3e: {  	[sflag:s20] =	ssyncset.done $0x0;
	(pc) =	sbr.rel @p0 .LBB2_2-.Ltmp0, $4  }
0x3f: {  	s25 =	sadd.s32 $0x1480, s25;
	[sflag:s20] =	ssyncadd.s32 $0xFFFFC000  }
0x40: {  	[spmem:s1] =	stream.indirect.scatter.add.f32 [tilespmem:s18], [sflag:$0x3], $0x80, s25, s16, $0xb8;
	[tilespmem:$0x1E800] =	vst v63  }
0x41: {  	_ =	swait.ge [sflag:s14], $0x4000  }
0x42: {  	s26 =	smov.u32 s30;
	s25 =	sshra.s32 s29, $0x2;
	[sflag:s14] =	ssyncset.done $0x0  }
0x43: {  	s26 =	sadd.s32 $0x80, s25;
	[sflag:s14] =	ssyncadd.s32 $0xFFFFC000  }
0x44: {  	[tilespmem:s18], [sflag:$0x2] =	stream.indirect.gather [hbm4b:s4+s16], $0x80, s26, s16, $0xb8;
	[tilespmem:$0x1E800] =	vst v63  }
0x45: {  	_ =	swait.ge [sflag:s19], $0x4000  }
0x46: {  	[sflag:s19] =	ssyncset.done $0x0  }
0x47: {  	s29 =	sadd.s32 $0x1400, s25;
	[sflag:s19] =	ssyncadd.s32 $0xFFFFC000  }
0x48: {  	[spmem:s1] =	stream.indirect.scatter.add.f32 [tilespmem:s17], [sflag:$0x3], $0x80, s29, s16, $0xb8;
	[tilespmem:$0x1E800] =	vst v63  }
0x49: {  	_ =	swait.ge [sflag:s14], $0x4000  }
0x4a: {  	[sflag:s14] =	ssyncset.done $0x0  }
0x4b: {  	s30 =	sadd.s32 $0x100, s25;
	[sflag:s14] =	ssyncadd.s32 $0xFFFFC000  }
0x4c: {  	[tilespmem:s17], [sflag:$0x1] =	stream.indirect.gather [hbm4b:s4+s16], $0x80, s30, s16, $0xb8;
	[tilespmem:$0x1E800] =	vst v63  }
0x4d: {  	_ =	swait.ge [sflag:s20], $0x4000  }
0x4e: {  	[sflag:s20] =	ssyncset.done $0x0  }
0x4f: {  	s31 =	sadd.s32 $0x1480, s25;
	[sflag:s20] =	ssyncadd.s32 $0xFFFFC000  }
0x50: {  	[spmem:s1] =	stream.indirect.scatter.add.f32 [tilespmem:s18], [sflag:$0x3], $0x80, s31, s16, $0xb8;
	[tilespmem:$0x1E800] =	vst v63  }
0x51: {  	_ =	swait.ge [sflag:s14], $0x4000  }
0x52: {  	[sflag:s14] =	ssyncset.done $0x0  }
0x53: {  	[sflag:s14] =	ssyncadd.s32 $0xFFFFC000  }
0x54: {  	[tilespmem:s18], [sflag:$0x2] =	stream.indirect.gather [hbm4b:s4+s16], $0x80, s21, s16, $0xb8;
	[tilespmem:$0x1E800] =	vst v63  }
0x55: {  	_ =	swait.ge [sflag:s19], $0x4000  }
0x56: {  	[sflag:s19] =	ssyncset.done $0x0  }
0x57: {  	[sflag:s19] =	ssyncadd.s32 $0xFFFFC000  }
0x58: {  	[spmem:s1] =	stream.indirect.scatter.add.f32 [tilespmem:s17], [sflag:$0x3], $0x80, s22, s16, $0xb8;
	[tilespmem:$0x1E800] =	vst v63  }
0x59: {  	_ =	swait.ge [sflag:s14], $0x4000  }
0x5a: {  	[sflag:s14] =	ssyncset.done $0x0  }
0x5b: {  	[sflag:s14] =	ssyncadd.s32 $0xFFFFC000  }
0x5c: {  	_ =	swait.ge [sflag:s20], $0x4000  }
0x5d: {  	[sflag:s20] =	ssyncset.done $0x0  }
0x5e: {  	[sflag:s20] =	ssyncadd.s32 $0xFFFFC000  }
0x5f: {  	[spmem:s1] =	stream.indirect.scatter.add.f32 [tilespmem:s18], [sflag:$0x3], $0x80, s23, s16, $0xb8;
	[tilespmem:$0x1E800] =	vst v63  }
0x60: {  	_ =	swait.ge [sflag:s14], $0x4000  }
0x61: {  	[sflag:s14] =	ssyncset.done $0x0  }
0x62: {  	s26 =	simm.s32 $0x0;
	[sflag:s14] =	ssyncadd.s32 $0xFFFFC000  }
0x63: {  	[tilespmem:s26], [sflag:$0x3] =	stream.linear.gather [hbm4b:s9+s26], $0x1400, $0x38;
	[tilespmem:$0x1E800] =	vst v63  }
0x64: {  	_ =	swait.ge [sflag:s14], $0x1400  }
0x65: {  	[sflag:s14] =	ssyncset.done $0x0  }
0x66: {  	[sflag:s14] =	ssyncadd.s32 $0xFFFFEC00  }
0x67: {  	[tilespmem:s15], [sflag:$0x3] =	stream.linear.gather [hbm4b:s10+s26], $0x1400, $0x38;
	[tilespmem:$0x1E800] =	vst v63  }
0x68: {  	_ =	swait.ge [sflag:s14], $0x1400  }
0x69: {  	[sflag:s14] =	ssyncset.done $0x0  }
0x6a: {  	[sflag:s14] =	ssyncadd.s32 $0xFFFFEC00  }
0x6b: {  	[tilespmem:s17], [sflag:$0x1] =	stream.indirect.gather [hbm4b:s4+s16], $0x80, s26, s16, $0xb8;
	[tilespmem:$0x1E800] =	vst v63  }
0x6c: {  	s28 =	simm.s32 $0x80  }
0x6d: {  	[tilespmem:s18], [sflag:$0x2] =	stream.indirect.gather [hbm4b:s4+s16], $0x80, s28, s16, $0xb8;
	[tilespmem:$0x1E800] =	vst v63  }
0x6e: {  	_ =	swait.ge [sflag:s19], $0x4000  }
0x6f: {  	[sflag:s19] =	ssyncset.done $0x0  }
0x70: {  	s29 =	simm.s32 $0x1400;
	[sflag:s19] =	ssyncadd.s32 $0xFFFFC000  }
0x71: {  	[spmem:s1] =	stream.indirect.scatter.add.f32 [tilespmem:s17], [sflag:$0x3], $0x80, s29, s16, $0xb8;
	[tilespmem:$0x1E800] =	vst v63  }
0x72: {  	_ =	swait.ge [sflag:s14], $0x4000  }
0x73: {  	[sflag:s14] =	ssyncset.done $0x0  }
0x74: {  	s30 =	simm.s32 $0x100;
	[sflag:s14] =	ssyncadd.s32 $0xFFFFC000  }
0x75: {  	[tilespmem:s17], [sflag:$0x1] =	stream.indirect.gather [hbm4b:s4+s16], $0x80, s30, s16, $0xb8;
	[tilespmem:$0x1E800] =	vst v63  }
0x76: {  	_ =	swait.ge [sflag:s20], $0x4000  }
0x77: {  	[sflag:s20] =	ssyncset.done $0x0  }
0x78: {  	s31 =	simm.s32 $0x1480;
	[sflag:s20] =	ssyncadd.s32 $0xFFFFC000  }
0x79: {  	[spmem:s1] =	stream.indirect.scatter.add.f32 [tilespmem:s18], [sflag:$0x3], $0x80, s31, s16, $0xb8;
	[tilespmem:$0x1E800] =	vst v63  }
0x7a: {  	_ =	swait.ge [sflag:s14], $0x4000  }
0x7b: {  	s25 =	simm.s32 $0x100;
	s26 =	simm.s32 $0x800;
	[sflag:s14] =	ssyncset.done $0x0  }
.LBB2_4:
0x7c: {  	s28 =	sadd.s32 $0x80, s25  }
0x7d: {  	[sflag:s14] =	ssyncadd.s32 $0xFFFFC000;
	s29 =	smov.u32 s26;
	s30 =	sadd.s32 $0x400, s26  }
0x7e: {  	[tilespmem:s18], [sflag:$0x2] =	stream.indirect.gather [hbm4b:s4+s16], $0x80, s28, s16, $0xb8;
	[tilespmem:$0x1E800] =	vst v63  }
0x7f: {  	p0 =	sne.s32 s26, $0x4800;
	_ =	swait.ge [sflag:s19], $0x4000  }
0x80: {  	[sflag:s19] =	ssyncset.done $0x0  }
0x81: {  	s26 =	sadd.s32 $0x1400, s25;
	[sflag:s19] =	ssyncadd.s32 $0xFFFFC000  }
0x82: {  	[spmem:s1] =	stream.indirect.scatter.add.f32 [tilespmem:s17], [sflag:$0x3], $0x80, s26, s16, $0xb8;
	[tilespmem:$0x1E800] =	vst v63  }
0x83: {  	_ =	swait.ge [sflag:s14], $0x4000  }
0x84: {  	[sflag:s14] =	ssyncset.done $0x0  }
0x85: {  	s26 =	sadd.s32 $0x100, s25;
	[sflag:s14] =	ssyncadd.s32 $0xFFFFC000  }
0x86: {  	[tilespmem:s17], [sflag:$0x1] =	stream.indirect.gather [hbm4b:s4+s16], $0x80, s26, s16, $0xb8;
	[tilespmem:$0x1E800] =	vst v63  }
0x87: {  	_ =	swait.ge [sflag:s20], $0x4000  }
.Ltmp1:
0x88: {  	[sflag:s20] =	ssyncset.done $0x0;
	(pc) =	sbr.rel @p0 .LBB2_4-.Ltmp1, $4  }
0x89: {  	s25 =	sadd.s32 $0x1480, s25;
	[sflag:s20] =	ssyncadd.s32 $0xFFFFC000  }
0x8a: {  	[spmem:s1] =	stream.indirect.scatter.add.f32 [tilespmem:s18], [sflag:$0x3], $0x80, s25, s16, $0xb8;
	[tilespmem:$0x1E800] =	vst v63  }
0x8b: {  	_ =	swait.ge [sflag:s14], $0x4000  }
0x8c: {  	s26 =	smov.u32 s30;
	s25 =	sshra.s32 s29, $0x2;
	[sflag:s14] =	ssyncset.done $0x0  }
0x8d: {  	s26 =	sadd.s32 $0x80, s25;
	[sflag:s14] =	ssyncadd.s32 $0xFFFFC000  }
0x8e: {  	[tilespmem:s18], [sflag:$0x2] =	stream.indirect.gather [hbm4b:s4+s16], $0x80, s26, s16, $0xb8;
	[tilespmem:$0x1E800] =	vst v63  }
0x8f: {  	_ =	swait.ge [sflag:s19], $0x4000  }
0x90: {  	[sflag:s19] =	ssyncset.done $0x0  }
0x91: {  	s29 =	sadd.s32 $0x1400, s25;
	[sflag:s19] =	ssyncadd.s32 $0xFFFFC000  }
0x92: {  	[spmem:s1] =	stream.indirect.scatter.add.f32 [tilespmem:s17], [sflag:$0x3], $0x80, s29, s16, $0xb8;
	[tilespmem:$0x1E800] =	vst v63  }
0x93: {  	_ =	swait.ge [sflag:s14], $0x4000  }
0x94: {  	[sflag:s14] =	ssyncset.done $0x0  }
0x95: {  	s30 =	sadd.s32 $0x100, s25;
	[sflag:s14] =	ssyncadd.s32 $0xFFFFC000  }
0x96: {  	[tilespmem:s17], [sflag:$0x1] =	stream.indirect.gather [hbm4b:s4+s16], $0x80, s30, s16, $0xb8;
	[tilespmem:$0x1E800] =	vst v63  }
0x97: {  	_ =	swait.ge [sflag:s20], $0x4000  }
0x98: {  	[sflag:s20] =	ssyncset.done $0x0  }
0x99: {  	s31 =	sadd.s32 $0x1480, s25;
	[sflag:s20] =	ssyncadd.s32 $0xFFFFC000  }
0x9a: {  	[spmem:s1] =	stream.indirect.scatter.add.f32 [tilespmem:s18], [sflag:$0x3], $0x80, s31, s16, $0xb8;
	[tilespmem:$0x1E800] =	vst v63  }
0x9b: {  	_ =	swait.ge [sflag:s14], $0x4000  }
0x9c: {  	[sflag:s14] =	ssyncset.done $0x0  }
0x9d: {  	[sflag:s14] =	ssyncadd.s32 $0xFFFFC000  }
0x9e: {  	[tilespmem:s18], [sflag:$0x2] =	stream.indirect.gather [hbm4b:s4+s16], $0x80, s21, s16, $0xb8;
	[tilespmem:$0x1E800] =	vst v63  }
0x9f: {  	_ =	swait.ge [sflag:s19], $0x4000  }
0xa0: {  	[sflag:s19] =	ssyncset.done $0x0  }
0xa1: {  	[sflag:s19] =	ssyncadd.s32 $0xFFFFC000  }
0xa2: {  	[spmem:s1] =	stream.indirect.scatter.add.f32 [tilespmem:s17], [sflag:$0x3], $0x80, s22, s16, $0xb8;
	[tilespmem:$0x1E800] =	vst v63  }
0xa3: {  	_ =	swait.ge [sflag:s14], $0x4000  }
0xa4: {  	[sflag:s14] =	ssyncset.done $0x0  }
0xa5: {  	[sflag:s14] =	ssyncadd.s32 $0xFFFFC000  }
0xa6: {  	_ =	swait.ge [sflag:s20], $0x4000  }
0xa7: {  	[sflag:s20] =	ssyncset.done $0x0  }
0xa8: {  	[sflag:s20] =	ssyncadd.s32 $0xFFFFC000  }
0xa9: {  	[spmem:s1] =	stream.indirect.scatter.add.f32 [tilespmem:s18], [sflag:$0x3], $0x80, s23, s16, $0xb8;
	[tilespmem:$0x1E800] =	vst v63  }
0xaa: {  	_ =	swait.ge [sflag:s14], $0x4000  }
0xab: {  	s24 =	sadd.s32 $0x1, s24;
	[sflag:s14] =	ssyncset.done $0x0  }
0xac: {  	p0 =	sne.s32 s24, s12;
	[sflag:s14] =	ssyncadd.s32 $0xFFFFC000  }
.Ltmp2:
0xad: {  	[bflag:$0x0] =	sbarrier.arrive $0xFFFF;
	(pc) =	sbr.rel @p0 .LBB2_1-.Ltmp2, $4  }
0xae: {  	[hbm:s11], [sflag:s6] =	dma.local [spmem:s13], $0x2800  }
0xaf: {  	_ =	swait.ge [sflag:s14], $0x2800  }
0xb0: {  	[sflag:s14] =	ssyncset.done $0x0  }
0xb1: {  	[sflag:s14] =	ssyncadd.s32 $0xFFFFD800  }
0xb2: {  	_ =	sfence.sel $0x180000  }
0xb3: {  	[bflag:$0x0] =	sbarrier.arrive $0xFFFF  }
0xb4: {  	p0 =	sne.s32 s2, $0x0;
	_ =	strace $0x9000004D  }
0xb5: {  	s0 =	sadd.s32 @!p0 $0x100000, s0;
	[bflag:$0x2] =	sbarrier.arrive $0xFFFF  }
0xb6: {  	[sflag:s0] =	ssyncadd.tile.s32 @!p0 $0x1;
	_ =	shalt  }
.Lfunc_end2:
_tile_overlayer_lowered:
.L_overlay_start_2:
0xb7: {  	(tag) =	ssettag $0x2  }
0xb8: {  	s0 =	rddreg [dreg:$0x0];
	s2 =	stileid.u32  }
0xb9: {  	s1 =	rddreg [dreg:$0x1];
	p0 =	sne.s32 s2, $0x0  }
0xba: {  	s3 =	rddreg [dreg:$0x2];
	[bflag:$0x3] =	sbarrier.arrive $0xFFFF;
	s2 =	simm.s32 @!p0 $0x1C03  }
0xbb: {  	[timem:s3], [sflag:s2] =	dma.local @!p0 [hbm:s0], s1  }
0xbc: {  	s0 =	simm.s32 @!p0 $0x3  }
0xbd: {  	_ =	swait.ge @!p0 [sflag:s0], s1  }
0xbe: {  	s1 =	ssub.s32 @!p0 $0x0, s1;
	[sflag:s0] =	ssyncset.done @!p0 $0x0  }
0xbf: {  	[sflag:s0] =	ssyncadd.s32 @!p0 s1  }
0xc0: {  	[bflag:$0x3] =	sbarrier.arrive $0xFFFF  }
0xc1: {  	_ =	shalt  }

// kernel: kernel.8.cloned.1.call-start
scs
__scs_entry_jumppad:
0x0: {  	(pc) =	sbr.rel $0x88, $3  }
0x1: {  	(tag) =	ssettag $0x0;
	lr =	simm.s32 $0x1  }
0x2: {  	[smem:$0x3F9B] =	sst lr;
	_ =	strace $0xD0000000  }
0x3: {  	_ = 	snop  }
0x4: {  	_ = 	snop  }
0x5: {  	_ = 	snop  }
0x6: {  	_ = 	snop  }
0x7: {  	_ = 	snop  }
__scs_overlays_trampoline_lowered:
0x8: {  	[smem:$0x3FAA] =	sst s0  }
0x9: {  	[smem:$0x3FAB] =	sst s1  }
0xa: {  	[smem:$0x3FAC] =	sst s2  }
0xb: {  	[smem:$0x3FAD] =	sst s3  }
0xc: {  	[smem:$0x3FAE] =	sst s4  }
0xd: {  	[smem:$0x3FAF] =	sst s5  }
0xe: {  	[smem:$0x3FB0] =	sst s6  }
0xf: {  	[smem:$0x3FB1] =	sst s7  }
0x10: {  	[smem:$0x3FB2] =	sst s8  }
0x11: {  	[smem:$0x3FB3] =	sst s9;
	s0 =	simm.s32 @!p0 $0x0  }
0x12: {  	s1 =	sld [smem:$0x3F99];
	s0 =	simm.s32 @p0 $0x1  }
0x13: {  	[smem:$0x3FB4] =	sst s0;
	s0 =	simm.s32 @!p1 $0x0  }
0x14: {  	s2 =	sld [smem:$0x3F98];
	s0 =	simm.s32 @p1 $0x1  }
0x15: {  	[smem:$0x3FB5] =	sst s0;
	s0 =	simm.s32 @!p2 $0x0  }
0x16: {  	s3 =	sld [smem:$0x3FDB];
	s0 =	simm.s32 @p2 $0x1  }
0x17: {  	s4 =	simm.s32 $0x1BF5;
	[smem:$0x3FB7] =	sst s0  }
0x18: {  	s0 =	sld [smem:$0x3F9A];
	_ =	swait.ge [sflag:s4], $0x0  }
0x19: {  	s7 =	sld [smem:$0x3F9B]  }
0x1a: {  	s8 =	sadd.s32 $0xFFFFE003, lr  }
0x1b: {  	s9 =	sadd.s32 $0xFFFFFEF7, lr;
	s5 =	simm.s32 $0xFFFFFFFF;
	p2 =	slt.u32 s8, $0xFFFFF086  }
0x1c: {  	p1 =	slt.u32 s9, $0xF7A;
	s5 =	simm.s32 @!p2 $0x0  }
0x1d: {  	s5 =	simm.s32 @p1 $0x1;
	p0 =	seq.s32 s7, s2  }
0x1e: {  	s7 =	smul.u32 @!p0 $0xF7A, s2;
	p2 =	seq.s32 @!p0 s5, $0x0  }
0x1f: {  	s9 =	smul.u32 $0xF7A, s1;
	s8 =	simm.s32 @!p0 $0x1BF5;
	p2 =	por !p2, p0  }
0x20: {  	[sflag:s8] =	ssyncset.s32 @!p0 $0xFFFFF086;
	s6 =	sadd.s32 @!p0 s3, s7;
	s7 =	simm.s32 @!p0 $0x108  }
0x21: {  	s3 =	sadd.s32 s3, s9;
	s6 =	sadd.s32 @!p0 $0x88, s6;
	s7 =	simm.s32 @p2 $0x1082  }
0x22: {  	[simem:s7], [sflag:s8] =	dma.local @!p0 [hbm:s6], $0xF7A  }
0x23: {  	s9 =	sor.u32 $0xD0000000, s2;
	s6 =	simm.s32 $0x108;
	_ =	swait.ge @!p0 [sflag:s8], $0x0  }
0x24: {  	s3 =	sadd.s32 $0x88, s3;
	s6 =	simm.s32 @!p1 $0x1082;
	[sflag:s4] =	ssyncset.s32 $0xFFFFF086  }
0x25: {  	[simem:s6], [sflag:s4] =	dma.local [hbm:s3], $0xF7A  }
0x26: {  	[smem:$0x3F9B] =	sst s1;
	(tag) =	ssettag s2;
	_ =	strace s9  }
0x27: {  	s1 =	sld [smem:$0x3FAB]  }
0x28: {  	s2 =	sld [smem:$0x3FAC]  }
0x29: {  	s4 =	sld [smem:$0x3FAE]  }
0x2a: {  	p0 =	seq.s32 s5, $0x0;
	s5 =	sld [smem:$0x3FAF]  }
0x2b: {  	s6 =	sld [smem:$0x3FB0]  }
0x2c: {  	s7 =	sld [smem:$0x3FB1]  }
0x2d: {  	s3 =	simm.s32 $0x108;
	s8 =	sld [smem:$0x3FB2]  }
0x2e: {  	s3 =	simm.s32 @!p0 $0x1082;
	s9 =	sld [smem:$0x3FB3]  }
0x2f: {  	lr =	sadd.s32 s0, s3;
	s0 =	sld [smem:$0x3FAA]  }
0x30: {  	s3 =	sld [smem:$0x3FAD]  }
0x31: {  	[smem:$0x3FB6] =	sst s10  }
0x32: {  	s10 =	sld [smem:$0x3FB4];
	_ =	sdelay $0x3  }
0x33: {  	p0 =	seq.s32 s10, $0x1;
	s10 =	sld [smem:$0x3FB6];
	_ =	sdelay $0x3  }
0x34: {  	[smem:$0x3FB6] =	sst s10  }
0x35: {  	s10 =	sld [smem:$0x3FB5];
	_ =	sdelay $0x3  }
0x36: {  	p1 =	seq.s32 s10, $0x1;
	s10 =	sld [smem:$0x3FB6];
	_ =	sdelay $0x3  }
0x37: {  	[smem:$0x3FB6] =	sst s10  }
0x38: {  	s10 =	sld [smem:$0x3FB7]  }
0x39: {  	_ = 	snop;
	(pc) =	sbr.ind lr, $3  }
0x3a: {  	_ = 	snop  }
0x3b: {  	_ = 	snop  }
0x3c: {  	p2 =	seq.s32 s10, $0x1;
	s10 =	sld [smem:$0x3FB6]  }
0x3d: {  	_ =	shalt  }
0x3e: {  	_ =	shalt  }
0x3f: {  	_ =	shalt  }
0x40: {  	_ =	shalt  }
0x41: {  	_ =	shalt  }
0x42: {  	_ =	shalt  }
0x43: {  	_ =	shalt  }
0x44: {  	_ =	shalt  }
0x45: {  	_ =	shalt  }
0x46: {  	_ =	shalt  }
0x47: {  	_ =	shalt  }
0x48: {  	_ =	shalt  }
0x49: {  	_ =	shalt  }
0x4a: {  	_ =	shalt  }
0x4b: {  	_ =	shalt  }
0x4c: {  	_ =	shalt  }
0x4d: {  	_ =	shalt  }
0x4e: {  	_ =	shalt  }
0x4f: {  	_ =	shalt  }
0x50: {  	_ =	shalt  }
0x51: {  	_ =	shalt  }
0x52: {  	_ =	shalt  }
0x53: {  	_ =	shalt  }
0x54: {  	_ =	shalt  }
0x55: {  	_ =	shalt  }
0x56: {  	_ =	shalt  }
0x57: {  	_ =	shalt  }
0x58: {  	_ =	shalt  }
0x59: {  	_ =	shalt  }
0x5a: {  	_ =	shalt  }
0x5b: {  	_ =	shalt  }
0x5c: {  	_ =	shalt  }
0x5d: {  	_ =	shalt  }
0x5e: {  	_ =	shalt  }
0x5f: {  	_ =	shalt  }
0x60: {  	_ =	shalt  }
0x61: {  	_ =	shalt  }
0x62: {  	_ =	shalt  }
0x63: {  	_ =	shalt  }
0x64: {  	_ =	shalt  }
0x65: {  	_ =	shalt  }
0x66: {  	_ =	shalt  }
0x67: {  	_ =	shalt  }
0x68: {  	_ =	shalt  }
0x69: {  	_ =	shalt  }
0x6a: {  	_ =	shalt  }
0x6b: {  	_ =	shalt  }
0x6c: {  	_ =	shalt  }
0x6d: {  	_ =	shalt  }
0x6e: {  	_ =	shalt  }
0x6f: {  	_ =	shalt  }
0x70: {  	_ =	shalt  }
0x71: {  	_ =	shalt  }
0x72: {  	_ =	shalt  }
0x73: {  	_ =	shalt  }
0x74: {  	_ =	shalt  }
0x75: {  	_ =	shalt  }
0x76: {  	_ =	shalt  }
0x77: {  	_ =	shalt  }
0x78: {  	_ =	shalt  }
0x79: {  	_ =	shalt  }
0x7a: {  	_ =	shalt  }
0x7b: {  	_ =	shalt  }
0x7c: {  	_ =	shalt  }
0x7d: {  	_ =	shalt  }
0x7e: {  	_ =	shalt  }
0x7f: {  	_ =	shalt  }
0x80: {  	_ =	shalt  }
0x81: {  	_ =	shalt  }
0x82: {  	_ =	shalt  }
0x83: {  	_ =	shalt  }
0x84: {  	_ =	shalt  }
0x85: {  	_ =	shalt  }
0x86: {  	_ =	shalt  }
0x87: {  	_ =	shalt  }
.Lfunc_end0:
.L_simem_size_0:
called_computation_lowered:
.L_overlay_start_0:
0x88: {  	s2 =	sld [smem:$0x3FD9]  }
0x89: {  	s3 =	sld [smem:$0x3FFE];
	_ =	sdelay $0x1  }
0x8a: {  	s1 =	srdreg.scid  }
0x8b: {  	s0 =	sand.u32 $0x1, s1  }
0x8c: {  	s16 =	sshll.u32 s0, $0xA;
	s2 =	sadd.s32 s3, s2  }
0x8d: {  	s2 =	sadd.s32 s2, s16  }
0x8e: {  	[smem:$0x3FC2] =	sst s2  }
0x8f: {  	_ = 	snop  }
0x90: {  	(tm) =	ssettm $0x1  }
0x91: {  	s17 =	sld [smem:$0x3FFB];
	_ =	sdelay $0x3  }
0x92: {  	_ =	strace s17  }
0x93: {  	s2 =	sld [smem:$0x3FFC];
	_ =	sdelay $0x3  }
0x94: {  	_ =	strace s2  }
0x95: {  	s2 =	sld [smem:$0x3FFD];
	_ =	sdelay $0x3  }
0x96: {  	_ =	strace s2  }
0x97: {  	_ =	strace $0x8FFFFFFF  }
0x98: {  	s18 =	sld [smem:$0x3FDB];
	_ =	sdelay $0x1  }
0x99: {  	s19 =	simm.s32 $_scs_section_size  }
0x9a: {  	s4 =	simm.s32 $_size__tile_overlayer_lowered;
	s5 =	simm.s32 $_tile_overlayer_lowered  }
0x9b: {  	s22 =	simm.s32 $0x1BFF;
	s21 =	sshll.u32 s5, $0x1;
	s2 =	sadd.s32 s19, s18  }
0x9c: {  	s6 =	simm.s32 $0x0;
	s20 =	sshll.u32 s4, $0x1;
	s4 =	sadd.s32 s21, s2  }
0x9d: {  	[timem:s6], [sflag:s22] =	dma.local [hbm:s4], s20  }
0x9e: {  	_ =	swait.ge [sflag:s22], s20  }
0x9f: {  	s3 =	ssub.s32 $0x0, s20;
	[sflag:s22] =	ssyncset.done $0x0  }
0xa0: {  	[sflag:s22] =	ssyncadd.s32 s3;
	_ =	sdelay $0x1  }
0xa1: {  	s23 =	simm.s32 $0x1B8B  }
0xa2: {  	_ =	swait.ge [sflag:s23], $0x1  }
0xa3: {  	[sflag:s23] =	ssyncset.done $0x0  }
0xa4: {  	s25 =	simm.s32 $0x1B8E;
	s24 =	sld [smem:$0x3FFE];
	[sflag:s23] =	ssyncadd.s32 $0xFFFFFFFF  }
0xa5: {  	s26 =	simm.s32 $execute0_lowered;
	[smem:$0x3FD2] =	sst s25  }
0xa6: {  	s4 =	sshll.u32 s26, $0x1;
	_ =	strace $0x80000046;
	[dreg:$0x1] =	wrdreg $0xFFFFFFFF  }
0xa7: {  	s28 =	simm.s32 $_size_execute0_lowered;
	s2 =	sadd.s32 s2, s4;
	[dreg:$0x0] =	wrdreg $0x0  }
0xa8: {  	s4 =	sshll.u32 s28, $0x1;
	[dreg:$0x2] =	wrdreg s2  }
0xa9: {  	[dreg:$0x3] =	wrdreg s4  }
0xaa: {  	[dreg:$0x4] =	wrdreg $0xC0  }
0xab: {  	_ =	task [dreg:s6], $0x5FFFF  }
0xac: {  	[dreg:$0x1] =	wrdreg $0xFFFFFFFF  }
0xad: {  	[dreg:$0x0] =	wrdreg $0x60  }
0xae: {  	[dreg:$0x2] =	wrdreg s24  }
0xaf: {  	[dreg:$0x3] =	wrdreg $0x9  }
0xb0: {  	_ =	task.clear_ibuf [dreg:s6], $0x4FFFF;
	_ =	strace $0x90000046  }
0xb1: {  	s29 =	simm.s32 $0x9;
	_ =	strace $0x80000048  }
0xb2: {  	_ =	swait.ge [sflag:s29], $0x1  }
0xb3: {  	[sflag:s29] =	ssyncadd.s32 $0xFFFFFFFF  }
0xb4: {  	_ =	strace $0x90000048  }
0xb5: {  	_ =	sfence  }
0xb6: {  	s30 =	sld [smem:$0x0];
	_ =	sdelay $0x2  }
0xb7: {  	s31 =	sshll.u32 s1, $0xD;
	s1 =	sshrl.u32 s1, $0x2  }
0xb8: {  	s3 =	sand.u32 $0x4000, s31;
	s1 =	sadd.s32 s1, s30  }
0xb9: {  	s0 =	sor.u32 s3, s0;
	s1 =	sshll.u32 s1, $0x11  }
0xba: {  	s0 =	sor.u32 s1, s0  }
0xbb: {  	s0 =	sadd.s32 $0x8F2B, s0  }
0xbc: {  	[sflag:s0] =	ssyncadd.remote.s32 $0x1  }
0xbd: {  	_ =	sfence.sel $0xFFFF  }
0xbe: {  	[dreg:$0x0] =	wrdreg $0xFFFFFFFF;
	(pc) =	sbr.abs _section_cstart, $3  }
0xbf: {  	[dreg:$0x1] =	wrdreg $0xFFFFFFFF  }
0xc0: {  	_ =	task.clear_ibuf [dreg:s6], $0x2FFFF;
	_ =	strace $0x9FFFFFFF  }
0xc1: {  	(tm) =	ssettm $0x7FFFFFFF  }
tec
execute0_lowered:
.L_overlay_start_1:
0x0: {  	(tag) =	ssettag $0x1  }
0x1: {  	s0 =	srdreg.scid  }
0x2: {  	s3 =	sand.u32 $0x1, s0  }
0x3: {  	s4 =	rddreg [dreg:$0x0];
	s0 =	stileid.u32;
	s1 =	sshll.u32 s3, $0x4  }
0x4: {  	s2 =	simm.s32 $0x0;
	s8 =	simm.s32 $0x0;
	s5 =	sor.u32 s0, s1  }
0x5: {  	[smem:$0x7FF] =	sst s2;
	s3 =	ssub.s32 $0x2, s3;
	s6 =	smul.u32 $0x4E2, s5  }
0x6: {  	s1 =	rddreg [dreg:$0x1];
	s7 =	sshrl.u32 s3, $0x1;
	s5 =	smul.u32 $0x500, s5  }
0x7: {  	_ =	strace $0x80000047;
	s31 =	ssub.s32 s3, s7;
	s7 =	simm.s32 $0x2780  }
0x8: {  	s6 =	sadd.s32 s6, s4;
	s4 =	sadd.s32 s5, s4;
	s5 =	smax.u32 s31, $0x1  }
0x9: {  	v0 =	vimm.f32 $0.0e+00;
	v1 =	vimm.f32 $1.000000000e+00;
	s3 =	sadd.s32 $0x2600, s6;
	s4 =	sadd.s32 $0xC400, s4;
	s6 =	simm.s32 $0x1  }
.LBB2_1:
0xa: {  	[tilespmem:s2], [sflag:$0x1] =	stream.linear.gather [hbm4b:s3+s2], $0x2710, $0x38;
	[tilespmem:$0x4F80] =	vst v63  }
0xb: {  	_ =	swait.ge [sflag:s6], $0x2710  }
0xc: {  	[sflag:s6] =	ssyncset.done $0x0  }
0xd: {  	s9 =	simm.s32 $0x70;
	s10 =	simm.s32 $0x3C0;
	[sflag:s6] =	ssyncadd.s32 $0xFFFFD8F0  }
.LBB2_2:
0xe: {  	p0 =	sne.s32 s10, $0x9FC0;
	[tilespmem:s9+$0x2780] =	vst v0  }
0xf: {  	[tilespmem:s9+$0x2710] =	vst v0  }
0x10: {  	[tilespmem:s9+$0x2720] =	vst v0  }
.Ltmp0:
0x11: {  	[tilespmem:s9+$0x2730] =	vst v0;
	(pc) =	sbr.rel @p0 .LBB2_2-.Ltmp0, $4  }
0x12: {  	[tilespmem:s9+$0x2740] =	vst v0  }
0x13: {  	[tilespmem:s9+$0x2750] =	vst v0  }
0x14: {  	[tilespmem:s9+$0x2760] =	vst v0  }
0x15: {  	[tilespmem:s9+$0x2770] =	vst v0;
	s9 =	sshra.s32 s10, $0x2;
	s10 =	sadd.s32 $0x200, s10  }
0x16: {  	[tilespmem:s9+$0x2780] =	vst v0  }
0x17: {  	[tilespmem:s9+$0x2710] =	vst v0  }
0x18: {  	[tilespmem:s9+$0x2720] =	vst v0  }
0x19: {  	[tilespmem:s9+$0x2730] =	vst v0  }
0x1a: {  	[tilespmem:s9+$0x2740] =	vst v0  }
0x1b: {  	[tilespmem:s9+$0x2750] =	vst v0  }
0x1c: {  	[tilespmem:s9+$0x2760] =	vst v0  }
0x1d: {  	[tilespmem:s9+$0x2770] =	vst v0;
	s10 =	simm.s32 $0x0;
	s9 =	simm.s32 $0x40  }
.LBB2_4:
0x1e: {  	p0 =	sne.s32 s9, $0x9C00;
	v2 =	vld [tilespmem:s10+$0x0];
	_ =	sdelay $0x3  }
.Ltmp1:
0x1f: {  	(pc) =	sbr.rel @p0 .LBB2_4-.Ltmp1, $2  }
0x20: {  	_ =	sdelay $0x2  }
0x21: {  	s10 =	sshra.s32 s9, $0x2;
	s9 =	sadd.s32 $0x40, s9;
	[tilespmem:v2+s7+$0x0] =	vst.idx.add.f32.msk $0xffff, v1  }
0x22: {  	v2 =	vld [tilespmem:s10+$0x0];
	_ =	sdelay $0x5  }
0x23: {  	s8 =	sadd.s32 $0x1, s8  }
0x24: {  	p0 =	sne.s32 s8, s5  }
.Ltmp2:
0x25: {  	[tilespmem:v2+s7+$0x0] =	vst.idx.add.f32.msk $0xffff, v1;
	(pc) =	sbr.rel @p0 .LBB2_1-.Ltmp2, $4  }
0x26: {  	[hbm4b:s4+s2] =	stream.linear.scatter [tilespmem:s7], [sflag:$0x1], $0x2800, $0x38;
	[tilespmem:$0x4F80] =	vst v63  }
0x27: {  	_ =	swait.ge [sflag:s6], $0x2800  }
0x28: {  	[sflag:s6] =	ssyncset.done $0x0  }
0x29: {  	[sflag:s6] =	ssyncadd.s32 $0xFFFFD800  }
0x2a: {  	_ =	sfence.sel $0x180000  }
0x2b: {  	[bflag:$0x0] =	sbarrier.arrive $0xFFFF  }
0x2c: {  	p0 =	sne.s32 s0, $0x0;
	_ =	strace $0x90000047  }
0x2d: {  	s0 =	sadd.s32 @!p0 $0x100000, s1;
	[bflag:$0x2] =	sbarrier.arrive $0xFFFF  }
0x2e: {  	[sflag:s0] =	ssyncadd.tile.s32 @!p0 $0x1;
	_ =	shalt  }
.Lfunc_end2:
_tile_overlayer_lowered:
.L_overlay_start_2:
0x2f: {  	(tag) =	ssettag $0x2  }
0x30: {  	s0 =	rddreg [dreg:$0x0];
	s2 =	stileid.u32  }
0x31: {  	s1 =	rddreg [dreg:$0x1];
	p0 =	sne.s32 s2, $0x0  }
0x32: {  	s3 =	rddreg [dreg:$0x2];
	[bflag:$0x3] =	sbarrier.arrive $0xFFFF;
	s2 =	simm.s32 @!p0 $0x1C01  }
0x33: {  	[timem:s3], [sflag:s2] =	dma.local @!p0 [hbm:s0], s1  }
0x34: {  	s0 =	simm.s32 @!p0 $0x1  }
0x35: {  	_ =	swait.ge @!p0 [sflag:s0], s1  }
0x36: {  	s1 =	ssub.s32 @!p0 $0x0, s1;
	[sflag:s0] =	ssyncset.done @!p0 $0x0  }
0x37: {  	[sflag:s0] =	ssyncadd.s32 @!p0 s1  }
0x38: {  	[bflag:$0x3] =	sbarrier.arrive $0xFFFF  }
0x39: {  	_ =	shalt  }

</sc_bundles>
